<compile_context>
chip_gen: v7x
topology: tpu7x:2x2x1
jax: 0.10.2.dev20260603
libtpu: 0.0.44.dev20260713+nightly
codegen_flags: <defaults>
</compile_context>

<pallas_src>
import jax
import jax.numpy as jnp
from jax import lax
from jax.experimental import pallas as pl
from jax.experimental.pallas import tpu as pltpu
from jax.experimental.pallas import tpu_sc as plsc

N = 100000
HIDDEN = 128
VOCAB = 64
CHUNK = 64
NC = 2
NS = 16
NW = NC * NS
LANES = 16
NBUF = 3

NFULL = N // CHUNK
TAIL = N - NFULL * CHUNK
CQ, CR = divmod(NFULL, NW)
CMAX = CQ + 1
RSTAGE = CMAX * CHUNK
XPAD = NFULL * CHUNK + CHUNK


def _pair_body(w0, w1, w2, w3, t01, t23):
    t01[...] = w0[...][:, None, :] + w1[...][None, :, :]
    t23[...] = w2[...][:, None, :] + w3[...][None, :, :]


def _build_pair_tables(W0, W1, W2, W3):
    t01, t23 = pl.pallas_call(
        _pair_body,
        out_shape=[
            jax.ShapeDtypeStruct((VOCAB, VOCAB, HIDDEN), jnp.float32),
            jax.ShapeDtypeStruct((VOCAB, VOCAB, HIDDEN), jnp.float32),
        ],
    )(W0, W1, W2, W3)
    return (t01.reshape(VOCAB * VOCAB, HIDDEN),
            t23.reshape(VOCAB * VOCAB, HIDDEN))


def _sc_body(x0, x1, x2, x3, t01, t23, out,
             sh01, sh23, xa, xb, i01, i23,
             b01_0, b01_1, b01_2, b23_0, b23_1, b23_2,
             gs0, gs1, gs2, ws0, ws1, ws2):
    b01s = (b01_0, b01_1, b01_2)
    b23s = (b23_0, b23_1, b23_2)
    gsem = (gs0, gs1, gs2)
    wsem = (ws0, ws1, ws2)

    sid = lax.axis_index("s")
    wid = sid * NC + lax.axis_index("c")
    nmine = jnp.where(wid < CR, CMAX, CQ)
    start = jnp.where(wid < CR, wid * CMAX, CR + wid * CQ)
    base = pl.multiple_of(start * CHUNK, CHUNK)

    seg = VOCAB * VOCAB // NS
    sseg = pl.ds(pl.multiple_of(sid * seg, seg), seg)
    pltpu.sync_copy(t01.at[sseg], sh01.at[sseg])
    pltpu.sync_copy(t23.at[sseg], sh23.at[sseg])
    plsc.subcore_barrier()

    pltpu.sync_copy(x0.at[pl.ds(base, RSTAGE)], xa)
    pltpu.sync_copy(x1.at[pl.ds(base, RSTAGE)], xb)

    def fold(j, c):
        s = pl.ds(pl.multiple_of(j * LANES, LANES), LANES)
        i01[s] = xa[s] * VOCAB + xb[s]
        return c

    lax.fori_loop(0, RSTAGE // LANES, fold, 0)
    pltpu.sync_copy(x2.at[pl.ds(base, RSTAGE)], xa)
    pltpu.sync_copy(x3.at[pl.ds(base, RSTAGE)], xb)

    def fold2(j, c):
        s = pl.ds(pl.multiple_of(j * LANES, LANES), LANES)
        i23[s] = xa[s] * VOCAB + xb[s]
        return c

    lax.fori_loop(0, RSTAGE // LANES, fold2, 0)

    def fire(c, p):
        s = pl.ds(c * CHUNK, CHUNK)
        pltpu.async_copy(sh01.at[i01.at[s]], b01s[p], gsem[p])
        pltpu.async_copy(sh23.at[i23.at[s]], b23s[p], gsem[p])

    def wait_g(p):
        pltpu.make_async_copy(t01.at[pl.ds(0, CHUNK)], b01s[p], gsem[p]).wait()
        pltpu.make_async_copy(t01.at[pl.ds(0, CHUNK)], b23s[p], gsem[p]).wait()

    def fire_w(c, p):
        pltpu.async_copy(b01s[p], out.at[pl.ds(base + c * CHUNK, CHUNK)],
                         wsem[p])

    def wait_w(p):
        pltpu.make_async_copy(b01s[p], out.at[pl.ds(0, CHUNK)], wsem[p]).wait()

    def add_block(p):
        b01, b23 = b01s[p], b23s[p]

        def add_row(r, c2):
            for j in range(HIDDEN // LANES):
                s = pl.ds(j * LANES, LANES)
                b01[r, s] = b01[r, s] + b23[r, s]
            return c2

        lax.fori_loop(0, CHUNK, add_row, 0)

    def step(c, p):
        @pl.when(c < nmine)
        def _():
            pn = (p + 1) % NBUF

            @pl.when(c + 1 < nmine)
            def _():
                @pl.when(c >= NBUF - 1)
                def _():
                    wait_w(pn)

                fire(c + 1, pn)

            wait_g(p)
            add_block(p)
            fire_w(c, p)

    fire(0, 0)

    def ring(k3, carry):
        c0 = k3 * NBUF
        for j in range(NBUF):
            step(c0 + j, j)
        return carry

    lax.fori_loop(0, (CMAX + NBUF - 1) // NBUF, ring, 0)
    for p in range(NBUF):
        wait_w(p)

    @pl.when(wid == NW - 1)
    def _():
        fire(CQ, 0)
        wait_g(0)
        add_block(0)
        pltpu.sync_copy(b01s[0].at[pl.ds(0, TAIL)],
                        out.at[pl.ds(NFULL * CHUNK, TAIL)])


def kernel(x, W0, W1, W2, W3):
    xT = jnp.pad(x.astype(jnp.int32).T, ((0, 0), (0, XPAD - N)))
    x0, x1, x2, x3 = xT[0], xT[1], xT[2], xT[3]
    t01, t23 = _build_pair_tables(W0, W1, W2, W3)
    mesh = plsc.VectorSubcoreMesh(core_axis_name="c", subcore_axis_name="s")
    f = pl.kernel(
        _sc_body,
        mesh=mesh,
        out_type=jax.ShapeDtypeStruct((N, HIDDEN), jnp.float32),
        scratch_types=[
            pltpu.VMEM_SHARED((VOCAB * VOCAB, HIDDEN), jnp.float32),
            pltpu.VMEM_SHARED((VOCAB * VOCAB, HIDDEN), jnp.float32),
            pltpu.VMEM((RSTAGE,), jnp.int32),
            pltpu.VMEM((RSTAGE,), jnp.int32),
            pltpu.VMEM((RSTAGE,), jnp.int32),
            pltpu.VMEM((RSTAGE,), jnp.int32),
            pltpu.VMEM((CHUNK, HIDDEN), jnp.float32),
            pltpu.VMEM((CHUNK, HIDDEN), jnp.float32),
            pltpu.VMEM((CHUNK, HIDDEN), jnp.float32),
            pltpu.VMEM((CHUNK, HIDDEN), jnp.float32),
            pltpu.VMEM((CHUNK, HIDDEN), jnp.float32),
            pltpu.VMEM((CHUNK, HIDDEN), jnp.float32),
            pltpu.SemaphoreType.DMA,
            pltpu.SemaphoreType.DMA,
            pltpu.SemaphoreType.DMA,
            pltpu.SemaphoreType.DMA,
            pltpu.SemaphoreType.DMA,
            pltpu.SemaphoreType.DMA,
        ],
    )
    return f(x0, x1, x2, x3, t01, t23)

# --- scband reference (transcript-rebuilt; emitter-appended) ---
"""Pipeline reference for scband-atom-encoder-61838939128049 (READ-ONLY COPY).

The authoritative reference and input builder live on the scoring server;
editing this copy changes nothing except your own understanding.
"""

import jax, jax.numpy as jnp
import numpy as np

N = 100000
NUM_FEATS = 4
VOCAB = 64
HIDDEN = 128

def setup_inputs(seed: int = 0) -> dict:
    key = jax.random.key(seed)
    kx, k0, k1, k2, k3 = jax.random.split(key, 5)
    x = jax.random.randint(kx, (N, NUM_FEATS), 0, VOCAB, dtype=jnp.int64 if jax.config.jax_enable_x64 else jnp.int32)
    # Embedding tables, one per categorical feature (torch.nn.Embedding default init ~ N(0,1))
    W0 = jax.random.normal(k0, (VOCAB, HIDDEN), dtype=jnp.float32)
    W1 = jax.random.normal(k1, (VOCAB, HIDDEN), dtype=jnp.float32)
    W2 = jax.random.normal(k2, (VOCAB, HIDDEN), dtype=jnp.float32)
    W3 = jax.random.normal(k3, (VOCAB, HIDDEN), dtype=jnp.float32)
    return {"x": x, "W0": W0, "W1": W1, "W2": W2, "W3": W3}

def reference(x, W0, W1, W2, W3):
    # AtomEncoder.forward: sum of per-feature embedding lookups
    if x.ndim == 1:
        x = x[:, None]
    tables = (W0, W1, W2, W3)
    out = jnp.zeros((x.shape[0], tables[0].shape[1]), dtype=jnp.float32)
    for i in range(x.shape[1]):
        out = out + jnp.take(tables[i], x[:, i], axis=0)
    return out

if __name__ == "__main__":
    import jax
    _d = setup_inputs()
    print(jax.jit(kernel)(*tuple(_d.values())))

</pallas_src>

<mosaic_0001>
#map = affine_map<(d0, d1) -> (0)>
#map1 = affine_map<(d0, d1) -> (0, 0)>
module attributes {stable_mosaic.version = 14 : i64} {
  func.func @_sc_body(%arg0: i32, %arg1: i32, %arg2: memref<100032xi32, #tpu.memory_space<hbm>>, %arg3: memref<100032xi32, #tpu.memory_space<hbm>>, %arg4: memref<100032xi32, #tpu.memory_space<hbm>>, %arg5: memref<100032xi32, #tpu.memory_space<hbm>>, %arg6: memref<4096x128xf32, #tpu.memory_space<hbm>>, %arg7: memref<4096x128xf32, #tpu.memory_space<hbm>>, %arg8: memref<100000x128xf32, #tpu.memory_space<hbm>>, %arg9: memref<4096x128xf32, #tpu.memory_space<vmem_shared>>, %arg10: memref<4096x128xf32, #tpu.memory_space<vmem_shared>>, %arg11: memref<3136xi32, #tpu.memory_space<vmem>>, %arg12: memref<3136xi32, #tpu.memory_space<vmem>>, %arg13: memref<3136xi32, #tpu.memory_space<vmem>>, %arg14: memref<3136xi32, #tpu.memory_space<vmem>>, %arg15: memref<64x128xf32, #tpu.memory_space<vmem>>, %arg16: memref<64x128xf32, #tpu.memory_space<vmem>>, %arg17: memref<64x128xf32, #tpu.memory_space<vmem>>, %arg18: memref<64x128xf32, #tpu.memory_space<vmem>>, %arg19: memref<64x128xf32, #tpu.memory_space<vmem>>, %arg20: memref<64x128xf32, #tpu.memory_space<vmem>>, %arg21: memref<!tpu.dma_semaphore, #tpu.memory_space<semaphore_mem>>, %arg22: memref<!tpu.dma_semaphore, #tpu.memory_space<semaphore_mem>>, %arg23: memref<!tpu.dma_semaphore, #tpu.memory_space<semaphore_mem>>, %arg24: memref<!tpu.dma_semaphore, #tpu.memory_space<semaphore_mem>>, %arg25: memref<!tpu.dma_semaphore, #tpu.memory_space<semaphore_mem>>, %arg26: memref<!tpu.dma_semaphore, #tpu.memory_space<semaphore_mem>>) attributes {dimension_semantics = [#tpu.dimension_semantics<core_parallel>, #tpu.dimension_semantics<subcore_parallel>], iteration_bounds = array<i64: 2, 16>, scalar_prefetch = 0 : i64, scratch_operands = 18 : i64, tpu.core_type = #tpu.core_type<sc_vector_subcore>, window_params = [{transform_indices = #map}, {transform_indices = #map}, {transform_indices = #map}, {transform_indices = #map}, {transform_indices = #map1}, {transform_indices = #map1}, {transform_indices = #map1}]} {
    %mul3A = arith.constant 2 : i32
    %mul3A_0 = arith.muli %arg1, %mul3A : i32
    %add3A = arith.addi %mul3A_0, %arg0 : i32
    %lt3A = arith.constant 26 : i32
    %lt3A_1 = arith.cmpi slt, %add3A, %lt3A : i32
    %jit3A = arith.constant 49 : i32
    %jit3A_2 = arith.constant 48 : i32
    %select_n3A = arith.select %lt3A_1, %jit3A, %jit3A_2 : i32
    %lt3A_3 = arith.constant 26 : i32
    %lt3A_4 = arith.cmpi slt, %add3A, %lt3A_3 : i32
    %mul3A_5 = arith.constant 49 : i32
    %mul3A_6 = arith.muli %add3A, %mul3A_5 : i32
    %mul3A_7 = arith.constant 48 : i32
    %mul3A_8 = arith.muli %add3A, %mul3A_7 : i32
    %add3A_9 = arith.constant 26 : i32
    %add3A_10 = arith.addi %add3A_9, %mul3A_8 : i32
    %select_n3A_11 = arith.select %lt3A_4, %mul3A_6, %add3A_10 : i32
    %mul3A_12 = arith.constant 64 : i32
    %mul3A_13 = arith.muli %select_n3A_11, %mul3A_12 : i32
    %multiple_of3A = tpu.assume_multiple %mul3A_13, 64 : i32
    %mul3A_14 = arith.constant 256 : i32
    %mul3A_15 = arith.muli %arg1, %mul3A_14 : i32
    %multiple_of3A_16 = tpu.assume_multiple %mul3A_15, 256 : i32
    "tpu.region"() ({
      %run_scoped3A = tpu.sem_alloc : memref<!tpu.dma_semaphore, #tpu.memory_space<semaphore_mem>>
      %dma_start3A_62 = arith.constant 0 : i32
      %dma_start3A_63 = tpu.memref_slice %arg9[%multiple_of3A_16, %dma_start3A_62] : memref<4096x128xf32, #tpu.memory_space<vmem_shared>> -> memref<256x128xf32, #tpu.memory_space<vmem_shared>>
      %dma_start3A_64 = arith.constant 0 : i32
      %dma_start3A_65 = tpu.memref_slice %arg6[%multiple_of3A_16, %dma_start3A_64] : memref<4096x128xf32, #tpu.memory_space<hbm>> -> memref<256x128xf32, #tpu.memory_space<hbm>>
      tpu.enqueue_dma source(%dma_start3A_65 : memref<256x128xf32, #tpu.memory_space<hbm>>) target(%dma_start3A_63 : memref<256x128xf32, #tpu.memory_space<vmem_shared>>) target_semaphore(%run_scoped3A : memref<!tpu.dma_semaphore, #tpu.memory_space<semaphore_mem>>)
      %dma_wait3A_66 = arith.constant 0 : i32
      %dma_wait3A_67 = tpu.memref_slice %arg9[%multiple_of3A_16, %dma_wait3A_66] : memref<4096x128xf32, #tpu.memory_space<vmem_shared>> -> memref<256x128xf32, #tpu.memory_space<vmem_shared>>
      %dma_wait3A_68 = arith.constant 0 : i32
      %dma_wait3A_69 = tpu.memref_slice %arg6[%multiple_of3A_16, %dma_wait3A_68] : memref<4096x128xf32, #tpu.memory_space<hbm>> -> memref<256x128xf32, #tpu.memory_space<hbm>>
      tpu.wait_dma2 semaphore(%run_scoped3A : memref<!tpu.dma_semaphore, #tpu.memory_space<semaphore_mem>>) src(%dma_wait3A_69 : memref<256x128xf32, #tpu.memory_space<hbm>>) dst(%dma_wait3A_67 : memref<256x128xf32, #tpu.memory_space<vmem_shared>>)
      tpu.yield
    }) : () -> ()
    "tpu.region"() ({
      %run_scoped3A = tpu.sem_alloc : memref<!tpu.dma_semaphore, #tpu.memory_space<semaphore_mem>>
      %dma_start3A_62 = arith.constant 0 : i32
      %dma_start3A_63 = tpu.memref_slice %arg10[%multiple_of3A_16, %dma_start3A_62] : memref<4096x128xf32, #tpu.memory_space<vmem_shared>> -> memref<256x128xf32, #tpu.memory_space<vmem_shared>>
      %dma_start3A_64 = arith.constant 0 : i32
      %dma_start3A_65 = tpu.memref_slice %arg7[%multiple_of3A_16, %dma_start3A_64] : memref<4096x128xf32, #tpu.memory_space<hbm>> -> memref<256x128xf32, #tpu.memory_space<hbm>>
      tpu.enqueue_dma source(%dma_start3A_65 : memref<256x128xf32, #tpu.memory_space<hbm>>) target(%dma_start3A_63 : memref<256x128xf32, #tpu.memory_space<vmem_shared>>) target_semaphore(%run_scoped3A : memref<!tpu.dma_semaphore, #tpu.memory_space<semaphore_mem>>)
      %dma_wait3A_66 = arith.constant 0 : i32
      %dma_wait3A_67 = tpu.memref_slice %arg10[%multiple_of3A_16, %dma_wait3A_66] : memref<4096x128xf32, #tpu.memory_space<vmem_shared>> -> memref<256x128xf32, #tpu.memory_space<vmem_shared>>
      %dma_wait3A_68 = arith.constant 0 : i32
      %dma_wait3A_69 = tpu.memref_slice %arg7[%multiple_of3A_16, %dma_wait3A_68] : memref<4096x128xf32, #tpu.memory_space<hbm>> -> memref<256x128xf32, #tpu.memory_space<hbm>>
      tpu.wait_dma2 semaphore(%run_scoped3A : memref<!tpu.dma_semaphore, #tpu.memory_space<semaphore_mem>>) src(%dma_wait3A_69 : memref<256x128xf32, #tpu.memory_space<hbm>>) dst(%dma_wait3A_67 : memref<256x128xf32, #tpu.memory_space<vmem_shared>>)
      tpu.yield
    }) : () -> ()
    %barrier3A = arith.constant 0 : index
    tpu.barrier barrier_id(%barrier3A)
    "tpu.region"() ({
      %run_scoped3A = tpu.sem_alloc : memref<!tpu.dma_semaphore, #tpu.memory_space<semaphore_mem>>
      %dma_start3A_62 = tpu.memref_slice %arg2[%multiple_of3A] : memref<100032xi32, #tpu.memory_space<hbm>> -> memref<3136xi32, #tpu.memory_space<hbm>>
      %dma_start3A_63 = tpu.memref_slice %arg2[%multiple_of3A] : memref<100032xi32, #tpu.memory_space<hbm>> -> memref<3136xi32, #tpu.memory_space<hbm>>
      tpu.enqueue_dma source(%dma_start3A_63 : memref<3136xi32, #tpu.memory_space<hbm>>) target(%arg11 : memref<3136xi32, #tpu.memory_space<vmem>>) target_semaphore(%run_scoped3A : memref<!tpu.dma_semaphore, #tpu.memory_space<semaphore_mem>>)
      %dma_wait3A_64 = tpu.memref_slice %arg2[%multiple_of3A] : memref<100032xi32, #tpu.memory_space<hbm>> -> memref<3136xi32, #tpu.memory_space<hbm>>
      %dma_wait3A_65 = tpu.memref_slice %arg2[%multiple_of3A] : memref<100032xi32, #tpu.memory_space<hbm>> -> memref<3136xi32, #tpu.memory_space<hbm>>
      tpu.wait_dma2 semaphore(%run_scoped3A : memref<!tpu.dma_semaphore, #tpu.memory_space<semaphore_mem>>) src(%dma_wait3A_65 : memref<3136xi32, #tpu.memory_space<hbm>>) dst(%arg11 : memref<3136xi32, #tpu.memory_space<vmem>>)
      tpu.yield
    }) : () -> ()
    "tpu.region"() ({
      %run_scoped3A = tpu.sem_alloc : memref<!tpu.dma_semaphore, #tpu.memory_space<semaphore_mem>>
      %dma_start3A_62 = tpu.memref_slice %arg3[%multiple_of3A] : memref<100032xi32, #tpu.memory_space<hbm>> -> memref<3136xi32, #tpu.memory_space<hbm>>
      %dma_start3A_63 = tpu.memref_slice %arg3[%multiple_of3A] : memref<100032xi32, #tpu.memory_space<hbm>> -> memref<3136xi32, #tpu.memory_space<hbm>>
      tpu.enqueue_dma source(%dma_start3A_63 : memref<3136xi32, #tpu.memory_space<hbm>>) target(%arg12 : memref<3136xi32, #tpu.memory_space<vmem>>) target_semaphore(%run_scoped3A : memref<!tpu.dma_semaphore, #tpu.memory_space<semaphore_mem>>)
      %dma_wait3A_64 = tpu.memref_slice %arg3[%multiple_of3A] : memref<100032xi32, #tpu.memory_space<hbm>> -> memref<3136xi32, #tpu.memory_space<hbm>>
      %dma_wait3A_65 = tpu.memref_slice %arg3[%multiple_of3A] : memref<100032xi32, #tpu.memory_space<hbm>> -> memref<3136xi32, #tpu.memory_space<hbm>>
      tpu.wait_dma2 semaphore(%run_scoped3A : memref<!tpu.dma_semaphore, #tpu.memory_space<semaphore_mem>>) src(%dma_wait3A_65 : memref<3136xi32, #tpu.memory_space<hbm>>) dst(%arg12 : memref<3136xi32, #tpu.memory_space<vmem>>)
      tpu.yield
    }) : () -> ()
    %scan3A = arith.constant 0 : i32
    %scan3A_17 = arith.constant 0 : i32
    %scan3A_18 = arith.constant 196 : i32
    %scan3A_19 = arith.addi %scan3A_17, %scan3A_18 : i32
    %scan3A_20 = arith.constant 1 : i32
    scf.for %scan3A_62 = %scan3A_17 to %scan3A_19 step %scan3A_20  : i32 {
      %mul3A_63 = arith.constant 16 : i32
      %mul3A_64 = arith.muli %scan3A_62, %mul3A_63 : i32
      %multiple_of3A_65 = tpu.assume_multiple %mul3A_64, 16 : i32
      %get3A = arith.index_cast %multiple_of3A_65 : i32 to index
      %get3A_66 = tpu.vector_load %arg11[%get3A] {strides = array<i32>} : memref<3136xi32, #tpu.memory_space<vmem>>, vector<16xi32>,
      %get3A_67 = vector.shape_cast %get3A_66 : vector<16xi32> to vector<16xi32>
      %mul3A_68 = arith.constant 64 : i32
      %mul3A_69 = vector.broadcast %mul3A_68 : i32 to vector<16xi32>
      %mul3A_70 = arith.muli %get3A_67, %mul3A_69 : vector<16xi32>
      %get3A_71 = arith.index_cast %multiple_of3A_65 : i32 to index
      %get3A_72 = tpu.vector_load %arg12[%get3A_71] {strides = array<i32>} : memref<3136xi32, #tpu.memory_space<vmem>>, vector<16xi32>,
      %get3A_73 = vector.shape_cast %get3A_72 : vector<16xi32> to vector<16xi32>
      %add3A_74 = arith.addi %mul3A_70, %get3A_73 : vector<16xi32>
      %swap3A = arith.index_cast %multiple_of3A_65 : i32 to index
      %swap3A_75 = tpu.vector_load %arg13[%swap3A] {strides = array<i32>} : memref<3136xi32, #tpu.memory_space<vmem>>, vector<16xi32>,
      %swap3A_76 = vector.shape_cast %swap3A_75 : vector<16xi32> to vector<16xi32>
      %swap3A_77 = vector.shape_cast %add3A_74 : vector<16xi32> to vector<16xi32>
      tpu.vector_store %arg13[%swap3A], %swap3A_77 {strides = array<i32>} : memref<3136xi32, #tpu.memory_space<vmem>>, vector<16xi32>,
    }
    %scan3A_21 = arith.constant 196 : i32
    "tpu.region"() ({
      %run_scoped3A = tpu.sem_alloc : memref<!tpu.dma_semaphore, #tpu.memory_space<semaphore_mem>>
      %dma_start3A_62 = tpu.memref_slice %arg4[%multiple_of3A] : memref<100032xi32, #tpu.memory_space<hbm>> -> memref<3136xi32, #tpu.memory_space<hbm>>
      %dma_start3A_63 = tpu.memref_slice %arg4[%multiple_of3A] : memref<100032xi32, #tpu.memory_space<hbm>> -> memref<3136xi32, #tpu.memory_space<hbm>>
      tpu.enqueue_dma source(%dma_start3A_63 : memref<3136xi32, #tpu.memory_space<hbm>>) target(%arg11 : memref<3136xi32, #tpu.memory_space<vmem>>) target_semaphore(%run_scoped3A : memref<!tpu.dma_semaphore, #tpu.memory_space<semaphore_mem>>)
      %dma_wait3A_64 = tpu.memref_slice %arg4[%multiple_of3A] : memref<100032xi32, #tpu.memory_space<hbm>> -> memref<3136xi32, #tpu.memory_space<hbm>>
      %dma_wait3A_65 = tpu.memref_slice %arg4[%multiple_of3A] : memref<100032xi32, #tpu.memory_space<hbm>> -> memref<3136xi32, #tpu.memory_space<hbm>>
      tpu.wait_dma2 semaphore(%run_scoped3A : memref<!tpu.dma_semaphore, #tpu.memory_space<semaphore_mem>>) src(%dma_wait3A_65 : memref<3136xi32, #tpu.memory_space<hbm>>) dst(%arg11 : memref<3136xi32, #tpu.memory_space<vmem>>)
      tpu.yield
    }) : () -> ()
    "tpu.region"() ({
      %run_scoped3A = tpu.sem_alloc : memref<!tpu.dma_semaphore, #tpu.memory_space<semaphore_mem>>
      %dma_start3A_62 = tpu.memref_slice %arg5[%multiple_of3A] : memref<100032xi32, #tpu.memory_space<hbm>> -> memref<3136xi32, #tpu.memory_space<hbm>>
      %dma_start3A_63 = tpu.memref_slice %arg5[%multiple_of3A] : memref<100032xi32, #tpu.memory_space<hbm>> -> memref<3136xi32, #tpu.memory_space<hbm>>
      tpu.enqueue_dma source(%dma_start3A_63 : memref<3136xi32, #tpu.memory_space<hbm>>) target(%arg12 : memref<3136xi32, #tpu.memory_space<vmem>>) target_semaphore(%run_scoped3A : memref<!tpu.dma_semaphore, #tpu.memory_space<semaphore_mem>>)
      %dma_wait3A_64 = tpu.memref_slice %arg5[%multiple_of3A] : memref<100032xi32, #tpu.memory_space<hbm>> -> memref<3136xi32, #tpu.memory_space<hbm>>
      %dma_wait3A_65 = tpu.memref_slice %arg5[%multiple_of3A] : memref<100032xi32, #tpu.memory_space<hbm>> -> memref<3136xi32, #tpu.memory_space<hbm>>
      tpu.wait_dma2 semaphore(%run_scoped3A : memref<!tpu.dma_semaphore, #tpu.memory_space<semaphore_mem>>) src(%dma_wait3A_65 : memref<3136xi32, #tpu.memory_space<hbm>>) dst(%arg12 : memref<3136xi32, #tpu.memory_space<vmem>>)
      tpu.yield
    }) : () -> ()
    %scan3A_22 = arith.constant 0 : i32
    %scan3A_23 = arith.constant 0 : i32
    %scan3A_24 = arith.constant 196 : i32
    %scan3A_25 = arith.addi %scan3A_23, %scan3A_24 : i32
    %scan3A_26 = arith.constant 1 : i32
    scf.for %scan3A_62 = %scan3A_23 to %scan3A_25 step %scan3A_26  : i32 {
      %mul3A_63 = arith.constant 16 : i32
      %mul3A_64 = arith.muli %scan3A_62, %mul3A_63 : i32
      %multiple_of3A_65 = tpu.assume_multiple %mul3A_64, 16 : i32
      %get3A = arith.index_cast %multiple_of3A_65 : i32 to index
      %get3A_66 = tpu.vector_load %arg11[%get3A] {strides = array<i32>} : memref<3136xi32, #tpu.memory_space<vmem>>, vector<16xi32>,
      %get3A_67 = vector.shape_cast %get3A_66 : vector<16xi32> to vector<16xi32>
      %mul3A_68 = arith.constant 64 : i32
      %mul3A_69 = vector.broadcast %mul3A_68 : i32 to vector<16xi32>
      %mul3A_70 = arith.muli %get3A_67, %mul3A_69 : vector<16xi32>
      %get3A_71 = arith.index_cast %multiple_of3A_65 : i32 to index
      %get3A_72 = tpu.vector_load %arg12[%get3A_71] {strides = array<i32>} : memref<3136xi32, #tpu.memory_space<vmem>>, vector<16xi32>,
      %get3A_73 = vector.shape_cast %get3A_72 : vector<16xi32> to vector<16xi32>
      %add3A_74 = arith.addi %mul3A_70, %get3A_73 : vector<16xi32>
      %swap3A = arith.index_cast %multiple_of3A_65 : i32 to index
      %swap3A_75 = tpu.vector_load %arg14[%swap3A] {strides = array<i32>} : memref<3136xi32, #tpu.memory_space<vmem>>, vector<16xi32>,
      %swap3A_76 = vector.shape_cast %swap3A_75 : vector<16xi32> to vector<16xi32>
      %swap3A_77 = vector.shape_cast %add3A_74 : vector<16xi32> to vector<16xi32>
      tpu.vector_store %arg14[%swap3A], %swap3A_77 {strides = array<i32>} : memref<3136xi32, #tpu.memory_space<vmem>>, vector<16xi32>,
    }
    %scan3A_27 = arith.constant 196 : i32
    %dma_start3A = arith.constant 0 : i32
    %dma_start3A_28 = tpu.memref_slice %arg13[%dma_start3A] : memref<3136xi32, #tpu.memory_space<vmem>> -> memref<64xi32, #tpu.memory_space<vmem>>
    %dma_start3A_29 = arith.constant 0 : i32
    %dma_start3A_30 = arith.constant 0 : i32
    %dma_start3A_31 = tpu.memref_slice %arg9[%dma_start3A_29, %dma_start3A_30] : memref<4096x128xf32, #tpu.memory_space<vmem_shared>> -> memref<4096x128xf32, #tpu.memory_space<vmem_shared>>
    tpu.enqueue_indirect_dma source(%dma_start3A_31 : memref<4096x128xf32, #tpu.memory_space<vmem_shared>>) target(%arg15 : memref<64x128xf32, #tpu.memory_space<vmem>>) offsets(%dma_start3A_28 : memref<64xi32, #tpu.memory_space<vmem>>) semaphore(%arg21 : memref<!tpu.dma_semaphore, #tpu.memory_space<semaphore_mem>>)
    %dma_start3A_32 = arith.constant 0 : i32
    %dma_start3A_33 = tpu.memref_slice %arg14[%dma_start3A_32] : memref<3136xi32, #tpu.memory_space<vmem>> -> memref<64xi32, #tpu.memory_space<vmem>>
    %dma_start3A_34 = arith.constant 0 : i32
    %dma_start3A_35 = arith.constant 0 : i32
    %dma_start3A_36 = tpu.memref_slice %arg10[%dma_start3A_34, %dma_start3A_35] : memref<4096x128xf32, #tpu.memory_space<vmem_shared>> -> memref<4096x128xf32, #tpu.memory_space<vmem_shared>>
    tpu.enqueue_indirect_dma source(%dma_start3A_36 : memref<4096x128xf32, #tpu.memory_space<vmem_shared>>) target(%arg18 : memref<64x128xf32, #tpu.memory_space<vmem>>) offsets(%dma_start3A_33 : memref<64xi32, #tpu.memory_space<vmem>>) semaphore(%arg21 : memref<!tpu.dma_semaphore, #tpu.memory_space<semaphore_mem>>)
    %scan3A_37 = arith.constant 0 : i32
    %scan3A_38 = arith.constant 0 : i32
    %scan3A_39 = arith.constant 17 : i32
    %scan3A_40 = arith.addi %scan3A_38, %scan3A_39 : i32
    %scan3A_41 = arith.constant 1 : i32
    scf.for %scan3A_62 = %scan3A_38 to %scan3A_40 step %scan3A_41  : i32 {
      %mul3A_63 = arith.constant 3 : i32
      %mul3A_64 = arith.muli %scan3A_62, %mul3A_63 : i32
      %add3A_65 = arith.constant 0 : i32
      %add3A_66 = arith.addi %mul3A_64, %add3A_65 : i32
      %lt3A_67 = arith.cmpi slt, %add3A_66, %select_n3A : i32
      %convert_element_type3A_68 = arith.extui %lt3A_67 : i1 to i32
      %cond3A_69 = arith.constant 0 : i32
      %cond3A_70 = arith.cmpi ne, %convert_element_type3A_68, %cond3A_69 : i32
      scf.if %cond3A_70 {
        %add3A_83 = arith.constant 1 : i32
        %add3A_84 = arith.addi %add3A_66, %add3A_83 : i32
        %lt3A_85 = arith.cmpi slt, %add3A_84, %select_n3A : i32
        %convert_element_type3A_86 = arith.extui %lt3A_85 : i1 to i32
        %cond3A_87 = arith.constant 0 : i32
        %cond3A_88 = arith.cmpi ne, %convert_element_type3A_86, %cond3A_87 : i32
        scf.if %cond3A_88 {
          %ge3A = arith.constant 2 : i32
          %ge3A_114 = arith.cmpi sge, %add3A_66, %ge3A : i32
          %convert_element_type3A_115 = arith.extui %ge3A_114 : i1 to i32
          %cond3A_116 = arith.constant 0 : i32
          %cond3A_117 = arith.cmpi ne, %convert_element_type3A_115, %cond3A_116 : i32
          scf.if %cond3A_117 {
            %dma_wait3A_130 = arith.constant 0 : i32
            %dma_wait3A_131 = arith.constant 0 : i32
            %dma_wait3A_132 = tpu.memref_slice %arg8[%dma_wait3A_130, %dma_wait3A_131] : memref<100000x128xf32, #tpu.memory_space<hbm>> -> memref<64x128xf32, #tpu.memory_space<hbm>>
            %dma_wait3A_133 = arith.constant 0 : i32
            %dma_wait3A_134 = arith.constant 0 : i32
            %dma_wait3A_135 = tpu.memref_slice %arg8[%dma_wait3A_133, %dma_wait3A_134] : memref<100000x128xf32, #tpu.memory_space<hbm>> -> memref<64x128xf32, #tpu.memory_space<hbm>>
            tpu.wait_dma2 semaphore(%arg25 : memref<!tpu.dma_semaphore, #tpu.memory_space<semaphore_mem>>) src(%arg16 : memref<64x128xf32, #tpu.memory_space<vmem>>) dst(%dma_wait3A_135 : memref<64x128xf32, #tpu.memory_space<hbm>>)
          } else {
          }
          %add3A_118 = arith.constant 1 : i32
          %add3A_119 = arith.addi %add3A_66, %add3A_118 : i32
          %mul3A_120 = arith.constant 64 : i32
          %mul3A_121 = arith.muli %add3A_119, %mul3A_120 : i32
          %dma_start3A_122 = tpu.memref_slice %arg13[%mul3A_121] : memref<3136xi32, #tpu.memory_space<vmem>> -> memref<64xi32, #tpu.memory_space<vmem>>
          %dma_start3A_123 = arith.constant 0 : i32
          %dma_start3A_124 = arith.constant 0 : i32
          %dma_start3A_125 = tpu.memref_slice %arg9[%dma_start3A_123, %dma_start3A_124] : memref<4096x128xf32, #tpu.memory_space<vmem_shared>> -> memref<4096x128xf32, #tpu.memory_space<vmem_shared>>
          tpu.enqueue_indirect_dma source(%dma_start3A_125 : memref<4096x128xf32, #tpu.memory_space<vmem_shared>>) target(%arg16 : memref<64x128xf32, #tpu.memory_space<vmem>>) offsets(%dma_start3A_122 : memref<64xi32, #tpu.memory_space<vmem>>) semaphore(%arg22 : memref<!tpu.dma_semaphore, #tpu.memory_space<semaphore_mem>>)
          %dma_start3A_126 = tpu.memref_slice %arg14[%mul3A_121] : memref<3136xi32, #tpu.memory_space<vmem>> -> memref<64xi32, #tpu.memory_space<vmem>>
          %dma_start3A_127 = arith.constant 0 : i32
          %dma_start3A_128 = arith.constant 0 : i32
          %dma_start3A_129 = tpu.memref_slice %arg10[%dma_start3A_127, %dma_start3A_128] : memref<4096x128xf32, #tpu.memory_space<vmem_shared>> -> memref<4096x128xf32, #tpu.memory_space<vmem_shared>>
          tpu.enqueue_indirect_dma source(%dma_start3A_129 : memref<4096x128xf32, #tpu.memory_space<vmem_shared>>) target(%arg19 : memref<64x128xf32, #tpu.memory_space<vmem>>) offsets(%dma_start3A_126 : memref<64xi32, #tpu.memory_space<vmem>>) semaphore(%arg22 : memref<!tpu.dma_semaphore, #tpu.memory_space<semaphore_mem>>)
        } else {
        }
        %dma_wait3A_89 = arith.constant 0 : i32
        %dma_wait3A_90 = arith.constant 0 : i32
        %dma_wait3A_91 = tpu.memref_slice %arg6[%dma_wait3A_89, %dma_wait3A_90] : memref<4096x128xf32, #tpu.memory_space<hbm>> -> memref<64x128xf32, #tpu.memory_space<hbm>>
        %dma_wait3A_92 = arith.constant 0 : i32
        %dma_wait3A_93 = arith.constant 0 : i32
        %dma_wait3A_94 = tpu.memref_slice %arg6[%dma_wait3A_92, %dma_wait3A_93] : memref<4096x128xf32, #tpu.memory_space<hbm>> -> memref<64x128xf32, #tpu.memory_space<hbm>>
        tpu.wait_dma2 semaphore(%arg21 : memref<!tpu.dma_semaphore, #tpu.memory_space<semaphore_mem>>) src(%dma_wait3A_94 : memref<64x128xf32, #tpu.memory_space<hbm>>) dst(%arg15 : memref<64x128xf32, #tpu.memory_space<vmem>>)
        %dma_wait3A_95 = arith.constant 0 : i32
        %dma_wait3A_96 = arith.constant 0 : i32
        %dma_wait3A_97 = tpu.memref_slice %arg6[%dma_wait3A_95, %dma_wait3A_96] : memref<4096x128xf32, #tpu.memory_space<hbm>> -> memref<64x128xf32, #tpu.memory_space<hbm>>
        %dma_wait3A_98 = arith.constant 0 : i32
        %dma_wait3A_99 = arith.constant 0 : i32
        %dma_wait3A_100 = tpu.memref_slice %arg6[%dma_wait3A_98, %dma_wait3A_99] : memref<4096x128xf32, #tpu.memory_space<hbm>> -> memref<64x128xf32, #tpu.memory_space<hbm>>
        tpu.wait_dma2 semaphore(%arg21 : memref<!tpu.dma_semaphore, #tpu.memory_space<semaphore_mem>>) src(%dma_wait3A_100 : memref<64x128xf32, #tpu.memory_space<hbm>>) dst(%arg18 : memref<64x128xf32, #tpu.memory_space<vmem>>)
        %scan3A_101 = arith.constant 0 : i32
        %scan3A_102 = arith.constant 0 : i32
        %scan3A_103 = arith.constant 64 : i32
        %scan3A_104 = arith.addi %scan3A_102, %scan3A_103 : i32
        %scan3A_105 = arith.constant 1 : i32
        scf.for %scan3A_114 = %scan3A_102 to %scan3A_104 step %scan3A_105  : i32 {
          %get3A = arith.index_cast %scan3A_114 : i32 to index
          %get3A_115 = arith.constant 0 : index
          %get3A_116 = tpu.vector_load %arg15[%get3A, %get3A_115] {strides = array<i32>} : memref<64x128xf32, #tpu.memory_space<vmem>>, vector<1x16xf32>,
          %get3A_117 = vector.shape_cast %get3A_116 : vector<1x16xf32> to vector<16xf32>
          %get3A_118 = arith.index_cast %scan3A_114 : i32 to index
          %get3A_119 = arith.constant 0 : index
          %get3A_120 = tpu.vector_load %arg18[%get3A_118, %get3A_119] {strides = array<i32>} : memref<64x128xf32, #tpu.memory_space<vmem>>, vector<1x16xf32>,
          %get3A_121 = vector.shape_cast %get3A_120 : vector<1x16xf32> to vector<16xf32>
          %add3A_122 = arith.addf %get3A_117, %get3A_121 : vector<16xf32>
          %swap3A = arith.index_cast %scan3A_114 : i32 to index
          %swap3A_123 = arith.constant 0 : index
          %swap3A_124 = tpu.vector_load %arg15[%swap3A, %swap3A_123] {strides = array<i32>} : memref<64x128xf32, #tpu.memory_space<vmem>>, vector<1x16xf32>,
          %swap3A_125 = vector.shape_cast %swap3A_124 : vector<1x16xf32> to vector<16xf32>
          %swap3A_126 = vector.shape_cast %add3A_122 : vector<16xf32> to vector<1x16xf32>
          tpu.vector_store %arg15[%swap3A, %swap3A_123], %swap3A_126 {strides = array<i32>} : memref<64x128xf32, #tpu.memory_space<vmem>>, vector<1x16xf32>,
          %get3A_127 = arith.index_cast %scan3A_114 : i32 to index
          %get3A_128 = arith.constant 16 : index
          %get3A_129 = tpu.vector_load %arg15[%get3A_127, %get3A_128] {strides = array<i32>} : memref<64x128xf32, #tpu.memory_space<vmem>>, vector<1x16xf32>,
          %get3A_130 = vector.shape_cast %get3A_129 : vector<1x16xf32> to vector<16xf32>
          %get3A_131 = arith.index_cast %scan3A_114 : i32 to index
          %get3A_132 = arith.constant 16 : index
          %get3A_133 = tpu.vector_load %arg18[%get3A_131, %get3A_132] {strides = array<i32>} : memref<64x128xf32, #tpu.memory_space<vmem>>, vector<1x16xf32>,
          %get3A_134 = vector.shape_cast %get3A_133 : vector<1x16xf32> to vector<16xf32>
          %add3A_135 = arith.addf %get3A_130, %get3A_134 : vector<16xf32>
          %swap3A_136 = arith.index_cast %scan3A_114 : i32 to index
          %swap3A_137 = arith.constant 16 : index
          %swap3A_138 = tpu.vector_load %arg15[%swap3A_136, %swap3A_137] {strides = array<i32>} : memref<64x128xf32, #tpu.memory_space<vmem>>, vector<1x16xf32>,
          %swap3A_139 = vector.shape_cast %swap3A_138 : vector<1x16xf32> to vector<16xf32>
          %swap3A_140 = vector.shape_cast %add3A_135 : vector<16xf32> to vector<1x16xf32>
          tpu.vector_store %arg15[%swap3A_136, %swap3A_137], %swap3A_140 {strides = array<i32>} : memref<64x128xf32, #tpu.memory_space<vmem>>, vector<1x16xf32>,
          %get3A_141 = arith.index_cast %scan3A_114 : i32 to index
          %get3A_142 = arith.constant 32 : index
          %get3A_143 = tpu.vector_load %arg15[%get3A_141, %get3A_142] {strides = array<i32>} : memref<64x128xf32, #tpu.memory_space<vmem>>, vector<1x16xf32>,
          %get3A_144 = vector.shape_cast %get3A_143 : vector<1x16xf32> to vector<16xf32>
          %get3A_145 = arith.index_cast %scan3A_114 : i32 to index
          %get3A_146 = arith.constant 32 : index
          %get3A_147 = tpu.vector_load %arg18[%get3A_145, %get3A_146] {strides = array<i32>} : memref<64x128xf32, #tpu.memory_space<vmem>>, vector<1x16xf32>,
          %get3A_148 = vector.shape_cast %get3A_147 : vector<1x16xf32> to vector<16xf32>
          %add3A_149 = arith.addf %get3A_144, %get3A_148 : vector<16xf32>
          %swap3A_150 = arith.index_cast %scan3A_114 : i32 to index
          %swap3A_151 = arith.constant 32 : index
          %swap3A_152 = tpu.vector_load %arg15[%swap3A_150, %swap3A_151] {strides = array<i32>} : memref<64x128xf32, #tpu.memory_space<vmem>>, vector<1x16xf32>,
          %swap3A_153 = vector.shape_cast %swap3A_152 : vector<1x16xf32> to vector<16xf32>
          %swap3A_154 = vector.shape_cast %add3A_149 : vector<16xf32> to vector<1x16xf32>
          tpu.vector_store %arg15[%swap3A_150, %swap3A_151], %swap3A_154 {strides = array<i32>} : memref<64x128xf32, #tpu.memory_space<vmem>>, vector<1x16xf32>,
          %get3A_155 = arith.index_cast %scan3A_114 : i32 to index
          %get3A_156 = arith.constant 48 : index
          %get3A_157 = tpu.vector_load %arg15[%get3A_155, %get3A_156] {strides = array<i32>} : memref<64x128xf32, #tpu.memory_space<vmem>>, vector<1x16xf32>,
          %get3A_158 = vector.shape_cast %get3A_157 : vector<1x16xf32> to vector<16xf32>
          %get3A_159 = arith.index_cast %scan3A_114 : i32 to index
          %get3A_160 = arith.constant 48 : index
          %get3A_161 = tpu.vector_load %arg18[%get3A_159, %get3A_160] {strides = array<i32>} : memref<64x128xf32, #tpu.memory_space<vmem>>, vector<1x16xf32>,
          %get3A_162 = vector.shape_cast %get3A_161 : vector<1x16xf32> to vector<16xf32>
          %add3A_163 = arith.addf %get3A_158, %get3A_162 : vector<16xf32>
          %swap3A_164 = arith.index_cast %scan3A_114 : i32 to index
          %swap3A_165 = arith.constant 48 : index
          %swap3A_166 = tpu.vector_load %arg15[%swap3A_164, %swap3A_165] {strides = array<i32>} : memref<64x128xf32, #tpu.memory_space<vmem>>, vector<1x16xf32>,
          %swap3A_167 = vector.shape_cast %swap3A_166 : vector<1x16xf32> to vector<16xf32>
          %swap3A_168 = vector.shape_cast %add3A_163 : vector<16xf32> to vector<1x16xf32>
          tpu.vector_store %arg15[%swap3A_164, %swap3A_165], %swap3A_168 {strides = array<i32>} : memref<64x128xf32, #tpu.memory_space<vmem>>, vector<1x16xf32>,
          %get3A_169 = arith.index_cast %scan3A_114 : i32 to index
          %get3A_170 = arith.constant 64 : index
          %get3A_171 = tpu.vector_load %arg15[%get3A_169, %get3A_170] {strides = array<i32>} : memref<64x128xf32, #tpu.memory_space<vmem>>, vector<1x16xf32>,
          %get3A_172 = vector.shape_cast %get3A_171 : vector<1x16xf32> to vector<16xf32>
          %get3A_173 = arith.index_cast %scan3A_114 : i32 to index
          %get3A_174 = arith.constant 64 : index
          %get3A_175 = tpu.vector_load %arg18[%get3A_173, %get3A_174] {strides = array<i32>} : memref<64x128xf32, #tpu.memory_space<vmem>>, vector<1x16xf32>,
          %get3A_176 = vector.shape_cast %get3A_175 : vector<1x16xf32> to vector<16xf32>
          %add3A_177 = arith.addf %get3A_172, %get3A_176 : vector<16xf32>
          %swap3A_178 = arith.index_cast %scan3A_114 : i32 to index
          %swap3A_179 = arith.constant 64 : index
          %swap3A_180 = tpu.vector_load %arg15[%swap3A_178, %swap3A_179] {strides = array<i32>} : memref<64x128xf32, #tpu.memory_space<vmem>>, vector<1x16xf32>,
          %swap3A_181 = vector.shape_cast %swap3A_180 : vector<1x16xf32> to vector<16xf32>
          %swap3A_182 = vector.shape_cast %add3A_177 : vector<16xf32> to vector<1x16xf32>
          tpu.vector_store %arg15[%swap3A_178, %swap3A_179], %swap3A_182 {strides = array<i32>} : memref<64x128xf32, #tpu.memory_space<vmem>>, vector<1x16xf32>,
          %get3A_183 = arith.index_cast %scan3A_114 : i32 to index
          %get3A_184 = arith.constant 80 : index
          %get3A_185 = tpu.vector_load %arg15[%get3A_183, %get3A_184] {strides = array<i32>} : memref<64x128xf32, #tpu.memory_space<vmem>>, vector<1x16xf32>,
          %get3A_186 = vector.shape_cast %get3A_185 : vector<1x16xf32> to vector<16xf32>
          %get3A_187 = arith.index_cast %scan3A_114 : i32 to index
          %get3A_188 = arith.constant 80 : index
          %get3A_189 = tpu.vector_load %arg18[%get3A_187, %get3A_188] {strides = array<i32>} : memref<64x128xf32, #tpu.memory_space<vmem>>, vector<1x16xf32>,
          %get3A_190 = vector.shape_cast %get3A_189 : vector<1x16xf32> to vector<16xf32>
          %add3A_191 = arith.addf %get3A_186, %get3A_190 : vector<16xf32>
          %swap3A_192 = arith.index_cast %scan3A_114 : i32 to index
          %swap3A_193 = arith.constant 80 : index
          %swap3A_194 = tpu.vector_load %arg15[%swap3A_192, %swap3A_193] {strides = array<i32>} : memref<64x128xf32, #tpu.memory_space<vmem>>, vector<1x16xf32>,
          %swap3A_195 = vector.shape_cast %swap3A_194 : vector<1x16xf32> to vector<16xf32>
          %swap3A_196 = vector.shape_cast %add3A_191 : vector<16xf32> to vector<1x16xf32>
          tpu.vector_store %arg15[%swap3A_192, %swap3A_193], %swap3A_196 {strides = array<i32>} : memref<64x128xf32, #tpu.memory_space<vmem>>, vector<1x16xf32>,
          %get3A_197 = arith.index_cast %scan3A_114 : i32 to index
          %get3A_198 = arith.constant 96 : index
          %get3A_199 = tpu.vector_load %arg15[%get3A_197, %get3A_198] {strides = array<i32>} : memref<64x128xf32, #tpu.memory_space<vmem>>, vector<1x16xf32>,
          %get3A_200 = vector.shape_cast %get3A_199 : vector<1x16xf32> to vector<16xf32>
          %get3A_201 = arith.index_cast %scan3A_114 : i32 to index
          %get3A_202 = arith.constant 96 : index
          %get3A_203 = tpu.vector_load %arg18[%get3A_201, %get3A_202] {strides = array<i32>} : memref<64x128xf32, #tpu.memory_space<vmem>>, vector<1x16xf32>,
          %get3A_204 = vector.shape_cast %get3A_203 : vector<1x16xf32> to vector<16xf32>
          %add3A_205 = arith.addf %get3A_200, %get3A_204 : vector<16xf32>
          %swap3A_206 = arith.index_cast %scan3A_114 : i32 to index
          %swap3A_207 = arith.constant 96 : index
          %swap3A_208 = tpu.vector_load %arg15[%swap3A_206, %swap3A_207] {strides = array<i32>} : memref<64x128xf32, #tpu.memory_space<vmem>>, vector<1x16xf32>,
          %swap3A_209 = vector.shape_cast %swap3A_208 : vector<1x16xf32> to vector<16xf32>
          %swap3A_210 = vector.shape_cast %add3A_205 : vector<16xf32> to vector<1x16xf32>
          tpu.vector_store %arg15[%swap3A_206, %swap3A_207], %swap3A_210 {strides = array<i32>} : memref<64x128xf32, #tpu.memory_space<vmem>>, vector<1x16xf32>,
          %get3A_211 = arith.index_cast %scan3A_114 : i32 to index
          %get3A_212 = arith.constant 112 : index
          %get3A_213 = tpu.vector_load %arg15[%get3A_211, %get3A_212] {strides = array<i32>} : memref<64x128xf32, #tpu.memory_space<vmem>>, vector<1x16xf32>,
          %get3A_214 = vector.shape_cast %get3A_213 : vector<1x16xf32> to vector<16xf32>
          %get3A_215 = arith.index_cast %scan3A_114 : i32 to index
          %get3A_216 = arith.constant 112 : index
          %get3A_217 = tpu.vector_load %arg18[%get3A_215, %get3A_216] {strides = array<i32>} : memref<64x128xf32, #tpu.memory_space<vmem>>, vector<1x16xf32>,
          %get3A_218 = vector.shape_cast %get3A_217 : vector<1x16xf32> to vector<16xf32>
          %add3A_219 = arith.addf %get3A_214, %get3A_218 : vector<16xf32>
          %swap3A_220 = arith.index_cast %scan3A_114 : i32 to index
          %swap3A_221 = arith.constant 112 : index
          %swap3A_222 = tpu.vector_load %arg15[%swap3A_220, %swap3A_221] {strides = array<i32>} : memref<64x128xf32, #tpu.memory_space<vmem>>, vector<1x16xf32>,
          %swap3A_223 = vector.shape_cast %swap3A_222 : vector<1x16xf32> to vector<16xf32>
          %swap3A_224 = vector.shape_cast %add3A_219 : vector<16xf32> to vector<1x16xf32>
          tpu.vector_store %arg15[%swap3A_220, %swap3A_221], %swap3A_224 {strides = array<i32>} : memref<64x128xf32, #tpu.memory_space<vmem>>, vector<1x16xf32>,
        }
        %scan3A_106 = arith.constant 64 : i32
        %mul3A_107 = arith.constant 64 : i32
        %mul3A_108 = arith.muli %add3A_66, %mul3A_107 : i32
        %add3A_109 = arith.addi %multiple_of3A, %mul3A_108 : i32
        %dma_start3A_110 = arith.constant 0 : i32
        %dma_start3A_111 = tpu.memref_slice %arg8[%add3A_109, %dma_start3A_110] : memref<100000x128xf32, #tpu.memory_space<hbm>> -> memref<64x128xf32, #tpu.memory_space<hbm>>
        %dma_start3A_112 = arith.constant 0 : i32
        %dma_start3A_113 = tpu.memref_slice %arg8[%add3A_109, %dma_start3A_112] : memref<100000x128xf32, #tpu.memory_space<hbm>> -> memref<64x128xf32, #tpu.memory_space<hbm>>
        tpu.enqueue_dma source(%arg15 : memref<64x128xf32, #tpu.memory_space<vmem>>) target(%dma_start3A_113 : memref<64x128xf32, #tpu.memory_space<hbm>>) target_semaphore(%arg24 : memref<!tpu.dma_semaphore, #tpu.memory_space<semaphore_mem>>)
      } else {
      }
      %add3A_71 = arith.constant 1 : i32
      %add3A_72 = arith.addi %mul3A_64, %add3A_71 : i32
      %lt3A_73 = arith.cmpi slt, %add3A_72, %select_n3A : i32
      %convert_element_type3A_74 = arith.extui %lt3A_73 : i1 to i32
      %cond3A_75 = arith.constant 0 : i32
      %cond3A_76 = arith.cmpi ne, %convert_element_type3A_74, %cond3A_75 : i32
      scf.if %cond3A_76 {
        %add3A_83 = arith.constant 1 : i32
        %add3A_84 = arith.addi %add3A_72, %add3A_83 : i32
        %lt3A_85 = arith.cmpi slt, %add3A_84, %select_n3A : i32
        %convert_element_type3A_86 = arith.extui %lt3A_85 : i1 to i32
        %cond3A_87 = arith.constant 0 : i32
        %cond3A_88 = arith.cmpi ne, %convert_element_type3A_86, %cond3A_87 : i32
        scf.if %cond3A_88 {
          %ge3A = arith.constant 2 : i32
          %ge3A_114 = arith.cmpi sge, %add3A_72, %ge3A : i32
          %convert_element_type3A_115 = arith.extui %ge3A_114 : i1 to i32
          %cond3A_116 = arith.constant 0 : i32
          %cond3A_117 = arith.cmpi ne, %convert_element_type3A_115, %cond3A_116 : i32
          scf.if %cond3A_117 {
            %dma_wait3A_130 = arith.constant 0 : i32
            %dma_wait3A_131 = arith.constant 0 : i32
            %dma_wait3A_132 = tpu.memref_slice %arg8[%dma_wait3A_130, %dma_wait3A_131] : memref<100000x128xf32, #tpu.memory_space<hbm>> -> memref<64x128xf32, #tpu.memory_space<hbm>>
            %dma_wait3A_133 = arith.constant 0 : i32
            %dma_wait3A_134 = arith.constant 0 : i32
            %dma_wait3A_135 = tpu.memref_slice %arg8[%dma_wait3A_133, %dma_wait3A_134] : memref<100000x128xf32, #tpu.memory_space<hbm>> -> memref<64x128xf32, #tpu.memory_space<hbm>>
            tpu.wait_dma2 semaphore(%arg26 : memref<!tpu.dma_semaphore, #tpu.memory_space<semaphore_mem>>) src(%arg17 : memref<64x128xf32, #tpu.memory_space<vmem>>) dst(%dma_wait3A_135 : memref<64x128xf32, #tpu.memory_space<hbm>>)
          } else {
          }
          %add3A_118 = arith.constant 1 : i32
          %add3A_119 = arith.addi %add3A_72, %add3A_118 : i32
          %mul3A_120 = arith.constant 64 : i32
          %mul3A_121 = arith.muli %add3A_119, %mul3A_120 : i32
          %dma_start3A_122 = tpu.memref_slice %arg13[%mul3A_121] : memref<3136xi32, #tpu.memory_space<vmem>> -> memref<64xi32, #tpu.memory_space<vmem>>
          %dma_start3A_123 = arith.constant 0 : i32
          %dma_start3A_124 = arith.constant 0 : i32
          %dma_start3A_125 = tpu.memref_slice %arg9[%dma_start3A_123, %dma_start3A_124] : memref<4096x128xf32, #tpu.memory_space<vmem_shared>> -> memref<4096x128xf32, #tpu.memory_space<vmem_shared>>
          tpu.enqueue_indirect_dma source(%dma_start3A_125 : memref<4096x128xf32, #tpu.memory_space<vmem_shared>>) target(%arg17 : memref<64x128xf32, #tpu.memory_space<vmem>>) offsets(%dma_start3A_122 : memref<64xi32, #tpu.memory_space<vmem>>) semaphore(%arg23 : memref<!tpu.dma_semaphore, #tpu.memory_space<semaphore_mem>>)
          %dma_start3A_126 = tpu.memref_slice %arg14[%mul3A_121] : memref<3136xi32, #tpu.memory_space<vmem>> -> memref<64xi32, #tpu.memory_space<vmem>>
          %dma_start3A_127 = arith.constant 0 : i32
          %dma_start3A_128 = arith.constant 0 : i32
          %dma_start3A_129 = tpu.memref_slice %arg10[%dma_start3A_127, %dma_start3A_128] : memref<4096x128xf32, #tpu.memory_space<vmem_shared>> -> memref<4096x128xf32, #tpu.memory_space<vmem_shared>>
          tpu.enqueue_indirect_dma source(%dma_start3A_129 : memref<4096x128xf32, #tpu.memory_space<vmem_shared>>) target(%arg20 : memref<64x128xf32, #tpu.memory_space<vmem>>) offsets(%dma_start3A_126 : memref<64xi32, #tpu.memory_space<vmem>>) semaphore(%arg23 : memref<!tpu.dma_semaphore, #tpu.memory_space<semaphore_mem>>)
        } else {
        }
        %dma_wait3A_89 = arith.constant 0 : i32
        %dma_wait3A_90 = arith.constant 0 : i32
        %dma_wait3A_91 = tpu.memref_slice %arg6[%dma_wait3A_89, %dma_wait3A_90] : memref<4096x128xf32, #tpu.memory_space<hbm>> -> memref<64x128xf32, #tpu.memory_space<hbm>>
        %dma_wait3A_92 = arith.constant 0 : i32
        %dma_wait3A_93 = arith.constant 0 : i32
        %dma_wait3A_94 = tpu.memref_slice %arg6[%dma_wait3A_92, %dma_wait3A_93] : memref<4096x128xf32, #tpu.memory_space<hbm>> -> memref<64x128xf32, #tpu.memory_space<hbm>>
        tpu.wait_dma2 semaphore(%arg22 : memref<!tpu.dma_semaphore, #tpu.memory_space<semaphore_mem>>) src(%dma_wait3A_94 : memref<64x128xf32, #tpu.memory_space<hbm>>) dst(%arg16 : memref<64x128xf32, #tpu.memory_space<vmem>>)
        %dma_wait3A_95 = arith.constant 0 : i32
        %dma_wait3A_96 = arith.constant 0 : i32
        %dma_wait3A_97 = tpu.memref_slice %arg6[%dma_wait3A_95, %dma_wait3A_96] : memref<4096x128xf32, #tpu.memory_space<hbm>> -> memref<64x128xf32, #tpu.memory_space<hbm>>
        %dma_wait3A_98 = arith.constant 0 : i32
        %dma_wait3A_99 = arith.constant 0 : i32
        %dma_wait3A_100 = tpu.memref_slice %arg6[%dma_wait3A_98, %dma_wait3A_99] : memref<4096x128xf32, #tpu.memory_space<hbm>> -> memref<64x128xf32, #tpu.memory_space<hbm>>
        tpu.wait_dma2 semaphore(%arg22 : memref<!tpu.dma_semaphore, #tpu.memory_space<semaphore_mem>>) src(%dma_wait3A_100 : memref<64x128xf32, #tpu.memory_space<hbm>>) dst(%arg19 : memref<64x128xf32, #tpu.memory_space<vmem>>)
        %scan3A_101 = arith.constant 0 : i32
        %scan3A_102 = arith.constant 0 : i32
        %scan3A_103 = arith.constant 64 : i32
        %scan3A_104 = arith.addi %scan3A_102, %scan3A_103 : i32
        %scan3A_105 = arith.constant 1 : i32
        scf.for %scan3A_114 = %scan3A_102 to %scan3A_104 step %scan3A_105  : i32 {
          %get3A = arith.index_cast %scan3A_114 : i32 to index
          %get3A_115 = arith.constant 0 : index
          %get3A_116 = tpu.vector_load %arg16[%get3A, %get3A_115] {strides = array<i32>} : memref<64x128xf32, #tpu.memory_space<vmem>>, vector<1x16xf32>,
          %get3A_117 = vector.shape_cast %get3A_116 : vector<1x16xf32> to vector<16xf32>
          %get3A_118 = arith.index_cast %scan3A_114 : i32 to index
          %get3A_119 = arith.constant 0 : index
          %get3A_120 = tpu.vector_load %arg19[%get3A_118, %get3A_119] {strides = array<i32>} : memref<64x128xf32, #tpu.memory_space<vmem>>, vector<1x16xf32>,
          %get3A_121 = vector.shape_cast %get3A_120 : vector<1x16xf32> to vector<16xf32>
          %add3A_122 = arith.addf %get3A_117, %get3A_121 : vector<16xf32>
          %swap3A = arith.index_cast %scan3A_114 : i32 to index
          %swap3A_123 = arith.constant 0 : index
          %swap3A_124 = tpu.vector_load %arg16[%swap3A, %swap3A_123] {strides = array<i32>} : memref<64x128xf32, #tpu.memory_space<vmem>>, vector<1x16xf32>,
          %swap3A_125 = vector.shape_cast %swap3A_124 : vector<1x16xf32> to vector<16xf32>
          %swap3A_126 = vector.shape_cast %add3A_122 : vector<16xf32> to vector<1x16xf32>
          tpu.vector_store %arg16[%swap3A, %swap3A_123], %swap3A_126 {strides = array<i32>} : memref<64x128xf32, #tpu.memory_space<vmem>>, vector<1x16xf32>,
          %get3A_127 = arith.index_cast %scan3A_114 : i32 to index
          %get3A_128 = arith.constant 16 : index
          %get3A_129 = tpu.vector_load %arg16[%get3A_127, %get3A_128] {strides = array<i32>} : memref<64x128xf32, #tpu.memory_space<vmem>>, vector<1x16xf32>,
          %get3A_130 = vector.shape_cast %get3A_129 : vector<1x16xf32> to vector<16xf32>
          %get3A_131 = arith.index_cast %scan3A_114 : i32 to index
          %get3A_132 = arith.constant 16 : index
          %get3A_133 = tpu.vector_load %arg19[%get3A_131, %get3A_132] {strides = array<i32>} : memref<64x128xf32, #tpu.memory_space<vmem>>, vector<1x16xf32>,
          %get3A_134 = vector.shape_cast %get3A_133 : vector<1x16xf32> to vector<16xf32>
          %add3A_135 = arith.addf %get3A_130, %get3A_134 : vector<16xf32>
          %swap3A_136 = arith.index_cast %scan3A_114 : i32 to index
          %swap3A_137 = arith.constant 16 : index
          %swap3A_138 = tpu.vector_load %arg16[%swap3A_136, %swap3A_137] {strides = array<i32>} : memref<64x128xf32, #tpu.memory_space<vmem>>, vector<1x16xf32>,
          %swap3A_139 = vector.shape_cast %swap3A_138 : vector<1x16xf32> to vector<16xf32>
          %swap3A_140 = vector.shape_cast %add3A_135 : vector<16xf32> to vector<1x16xf32>
          tpu.vector_store %arg16[%swap3A_136, %swap3A_137], %swap3A_140 {strides = array<i32>} : memref<64x128xf32, #tpu.memory_space<vmem>>, vector<1x16xf32>,
          %get3A_141 = arith.index_cast %scan3A_114 : i32 to index
          %get3A_142 = arith.constant 32 : index
          %get3A_143 = tpu.vector_load %arg16[%get3A_141, %get3A_142] {strides = array<i32>} : memref<64x128xf32, #tpu.memory_space<vmem>>, vector<1x16xf32>,
          %get3A_144 = vector.shape_cast %get3A_143 : vector<1x16xf32> to vector<16xf32>
          %get3A_145 = arith.index_cast %scan3A_114 : i32 to index
          %get3A_146 = arith.constant 32 : index
          %get3A_147 = tpu.vector_load %arg19[%get3A_145, %get3A_146] {strides = array<i32>} : memref<64x128xf32, #tpu.memory_space<vmem>>, vector<1x16xf32>,
          %get3A_148 = vector.shape_cast %get3A_147 : vector<1x16xf32> to vector<16xf32>
          %add3A_149 = arith.addf %get3A_144, %get3A_148 : vector<16xf32>
          %swap3A_150 = arith.index_cast %scan3A_114 : i32 to index
          %swap3A_151 = arith.constant 32 : index
          %swap3A_152 = tpu.vector_load %arg16[%swap3A_150, %swap3A_151] {strides = array<i32>} : memref<64x128xf32, #tpu.memory_space<vmem>>, vector<1x16xf32>,
          %swap3A_153 = vector.shape_cast %swap3A_152 : vector<1x16xf32> to vector<16xf32>
          %swap3A_154 = vector.shape_cast %add3A_149 : vector<16xf32> to vector<1x16xf32>
          tpu.vector_store %arg16[%swap3A_150, %swap3A_151], %swap3A_154 {strides = array<i32>} : memref<64x128xf32, #tpu.memory_space<vmem>>, vector<1x16xf32>,
          %get3A_155 = arith.index_cast %scan3A_114 : i32 to index
          %get3A_156 = arith.constant 48 : index
          %get3A_157 = tpu.vector_load %arg16[%get3A_155, %get3A_156] {strides = array<i32>} : memref<64x128xf32, #tpu.memory_space<vmem>>, vector<1x16xf32>,
          %get3A_158 = vector.shape_cast %get3A_157 : vector<1x16xf32> to vector<16xf32>
          %get3A_159 = arith.index_cast %scan3A_114 : i32 to index
          %get3A_160 = arith.constant 48 : index
          %get3A_161 = tpu.vector_load %arg19[%get3A_159, %get3A_160] {strides = array<i32>} : memref<64x128xf32, #tpu.memory_space<vmem>>, vector<1x16xf32>,
          %get3A_162 = vector.shape_cast %get3A_161 : vector<1x16xf32> to vector<16xf32>
          %add3A_163 = arith.addf %get3A_158, %get3A_162 : vector<16xf32>
          %swap3A_164 = arith.index_cast %scan3A_114 : i32 to index
          %swap3A_165 = arith.constant 48 : index
          %swap3A_166 = tpu.vector_load %arg16[%swap3A_164, %swap3A_165] {strides = array<i32>} : memref<64x128xf32, #tpu.memory_space<vmem>>, vector<1x16xf32>,
          %swap3A_167 = vector.shape_cast %swap3A_166 : vector<1x16xf32> to vector<16xf32>
          %swap3A_168 = vector.shape_cast %add3A_163 : vector<16xf32> to vector<1x16xf32>
          tpu.vector_store %arg16[%swap3A_164, %swap3A_165], %swap3A_168 {strides = array<i32>} : memref<64x128xf32, #tpu.memory_space<vmem>>, vector<1x16xf32>,
          %get3A_169 = arith.index_cast %scan3A_114 : i32 to index
          %get3A_170 = arith.constant 64 : index
          %get3A_171 = tpu.vector_load %arg16[%get3A_169, %get3A_170] {strides = array<i32>} : memref<64x128xf32, #tpu.memory_space<vmem>>, vector<1x16xf32>,
          %get3A_172 = vector.shape_cast %get3A_171 : vector<1x16xf32> to vector<16xf32>
          %get3A_173 = arith.index_cast %scan3A_114 : i32 to index
          %get3A_174 = arith.constant 64 : index
          %get3A_175 = tpu.vector_load %arg19[%get3A_173, %get3A_174] {strides = array<i32>} : memref<64x128xf32, #tpu.memory_space<vmem>>, vector<1x16xf32>,
          %get3A_176 = vector.shape_cast %get3A_175 : vector<1x16xf32> to vector<16xf32>
          %add3A_177 = arith.addf %get3A_172, %get3A_176 : vector<16xf32>
          %swap3A_178 = arith.index_cast %scan3A_114 : i32 to index
          %swap3A_179 = arith.constant 64 : index
          %swap3A_180 = tpu.vector_load %arg16[%swap3A_178, %swap3A_179] {strides = array<i32>} : memref<64x128xf32, #tpu.memory_space<vmem>>, vector<1x16xf32>,
          %swap3A_181 = vector.shape_cast %swap3A_180 : vector<1x16xf32> to vector<16xf32>
          %swap3A_182 = vector.shape_cast %add3A_177 : vector<16xf32> to vector<1x16xf32>
          tpu.vector_store %arg16[%swap3A_178, %swap3A_179], %swap3A_182 {strides = array<i32>} : memref<64x128xf32, #tpu.memory_space<vmem>>, vector<1x16xf32>,
          %get3A_183 = arith.index_cast %scan3A_114 : i32 to index
          %get3A_184 = arith.constant 80 : index
          %get3A_185 = tpu.vector_load %arg16[%get3A_183, %get3A_184] {strides = array<i32>} : memref<64x128xf32, #tpu.memory_space<vmem>>, vector<1x16xf32>,
          %get3A_186 = vector.shape_cast %get3A_185 : vector<1x16xf32> to vector<16xf32>
          %get3A_187 = arith.index_cast %scan3A_114 : i32 to index
          %get3A_188 = arith.constant 80 : index
          %get3A_189 = tpu.vector_load %arg19[%get3A_187, %get3A_188] {strides = array<i32>} : memref<64x128xf32, #tpu.memory_space<vmem>>, vector<1x16xf32>,
          %get3A_190 = vector.shape_cast %get3A_189 : vector<1x16xf32> to vector<16xf32>
          %add3A_191 = arith.addf %get3A_186, %get3A_190 : vector<16xf32>
          %swap3A_192 = arith.index_cast %scan3A_114 : i32 to index
          %swap3A_193 = arith.constant 80 : index
          %swap3A_194 = tpu.vector_load %arg16[%swap3A_192, %swap3A_193] {strides = array<i32>} : memref<64x128xf32, #tpu.memory_space<vmem>>, vector<1x16xf32>,
          %swap3A_195 = vector.shape_cast %swap3A_194 : vector<1x16xf32> to vector<16xf32>
          %swap3A_196 = vector.shape_cast %add3A_191 : vector<16xf32> to vector<1x16xf32>
          tpu.vector_store %arg16[%swap3A_192, %swap3A_193], %swap3A_196 {strides = array<i32>} : memref<64x128xf32, #tpu.memory_space<vmem>>, vector<1x16xf32>,
          %get3A_197 = arith.index_cast %scan3A_114 : i32 to index
          %get3A_198 = arith.constant 96 : index
          %get3A_199 = tpu.vector_load %arg16[%get3A_197, %get3A_198] {strides = array<i32>} : memref<64x128xf32, #tpu.memory_space<vmem>>, vector<1x16xf32>,
          %get3A_200 = vector.shape_cast %get3A_199 : vector<1x16xf32> to vector<16xf32>
          %get3A_201 = arith.index_cast %scan3A_114 : i32 to index
          %get3A_202 = arith.constant 96 : index
          %get3A_203 = tpu.vector_load %arg19[%get3A_201, %get3A_202] {strides = array<i32>} : memref<64x128xf32, #tpu.memory_space<vmem>>, vector<1x16xf32>,
          %get3A_204 = vector.shape_cast %get3A_203 : vector<1x16xf32> to vector<16xf32>
          %add3A_205 = arith.addf %get3A_200, %get3A_204 : vector<16xf32>
          %swap3A_206 = arith.index_cast %scan3A_114 : i32 to index
          %swap3A_207 = arith.constant 96 : index
          %swap3A_208 = tpu.vector_load %arg16[%swap3A_206, %swap3A_207] {strides = array<i32>} : memref<64x128xf32, #tpu.memory_space<vmem>>, vector<1x16xf32>,
          %swap3A_209 = vector.shape_cast %swap3A_208 : vector<1x16xf32> to vector<16xf32>
          %swap3A_210 = vector.shape_cast %add3A_205 : vector<16xf32> to vector<1x16xf32>
          tpu.vector_store %arg16[%swap3A_206, %swap3A_207], %swap3A_210 {strides = array<i32>} : memref<64x128xf32, #tpu.memory_space<vmem>>, vector<1x16xf32>,
          %get3A_211 = arith.index_cast %scan3A_114 : i32 to index
          %get3A_212 = arith.constant 112 : index
          %get3A_213 = tpu.vector_load %arg16[%get3A_211, %get3A_212] {strides = array<i32>} : memref<64x128xf32, #tpu.memory_space<vmem>>, vector<1x16xf32>,
          %get3A_214 = vector.shape_cast %get3A_213 : vector<1x16xf32> to vector<16xf32>
          %get3A_215 = arith.index_cast %scan3A_114 : i32 to index
          %get3A_216 = arith.constant 112 : index
          %get3A_217 = tpu.vector_load %arg19[%get3A_215, %get3A_216] {strides = array<i32>} : memref<64x128xf32, #tpu.memory_space<vmem>>, vector<1x16xf32>,
          %get3A_218 = vector.shape_cast %get3A_217 : vector<1x16xf32> to vector<16xf32>
          %add3A_219 = arith.addf %get3A_214, %get3A_218 : vector<16xf32>
          %swap3A_220 = arith.index_cast %scan3A_114 : i32 to index
          %swap3A_221 = arith.constant 112 : index
          %swap3A_222 = tpu.vector_load %arg16[%swap3A_220, %swap3A_221] {strides = array<i32>} : memref<64x128xf32, #tpu.memory_space<vmem>>, vector<1x16xf32>,
          %swap3A_223 = vector.shape_cast %swap3A_222 : vector<1x16xf32> to vector<16xf32>
          %swap3A_224 = vector.shape_cast %add3A_219 : vector<16xf32> to vector<1x16xf32>
          tpu.vector_store %arg16[%swap3A_220, %swap3A_221], %swap3A_224 {strides = array<i32>} : memref<64x128xf32, #tpu.memory_space<vmem>>, vector<1x16xf32>,
        }
        %scan3A_106 = arith.constant 64 : i32
        %mul3A_107 = arith.constant 64 : i32
        %mul3A_108 = arith.muli %add3A_72, %mul3A_107 : i32
        %add3A_109 = arith.addi %multiple_of3A, %mul3A_108 : i32
        %dma_start3A_110 = arith.constant 0 : i32
        %dma_start3A_111 = tpu.memref_slice %arg8[%add3A_109, %dma_start3A_110] : memref<100000x128xf32, #tpu.memory_space<hbm>> -> memref<64x128xf32, #tpu.memory_space<hbm>>
        %dma_start3A_112 = arith.constant 0 : i32
        %dma_start3A_113 = tpu.memref_slice %arg8[%add3A_109, %dma_start3A_112] : memref<100000x128xf32, #tpu.memory_space<hbm>> -> memref<64x128xf32, #tpu.memory_space<hbm>>
        tpu.enqueue_dma source(%arg16 : memref<64x128xf32, #tpu.memory_space<vmem>>) target(%dma_start3A_113 : memref<64x128xf32, #tpu.memory_space<hbm>>) target_semaphore(%arg25 : memref<!tpu.dma_semaphore, #tpu.memory_space<semaphore_mem>>)
      } else {
      }
      %add3A_77 = arith.constant 2 : i32
      %add3A_78 = arith.addi %mul3A_64, %add3A_77 : i32
      %lt3A_79 = arith.cmpi slt, %add3A_78, %select_n3A : i32
      %convert_element_type3A_80 = arith.extui %lt3A_79 : i1 to i32
      %cond3A_81 = arith.constant 0 : i32
      %cond3A_82 = arith.cmpi ne, %convert_element_type3A_80, %cond3A_81 : i32
      scf.if %cond3A_82 {
        %add3A_83 = arith.constant 1 : i32
        %add3A_84 = arith.addi %add3A_78, %add3A_83 : i32
        %lt3A_85 = arith.cmpi slt, %add3A_84, %select_n3A : i32
        %convert_element_type3A_86 = arith.extui %lt3A_85 : i1 to i32
        %cond3A_87 = arith.constant 0 : i32
        %cond3A_88 = arith.cmpi ne, %convert_element_type3A_86, %cond3A_87 : i32
        scf.if %cond3A_88 {
          %ge3A = arith.constant 2 : i32
          %ge3A_114 = arith.cmpi sge, %add3A_78, %ge3A : i32
          %convert_element_type3A_115 = arith.extui %ge3A_114 : i1 to i32
          %cond3A_116 = arith.constant 0 : i32
          %cond3A_117 = arith.cmpi ne, %convert_element_type3A_115, %cond3A_116 : i32
          scf.if %cond3A_117 {
            %dma_wait3A_130 = arith.constant 0 : i32
            %dma_wait3A_131 = arith.constant 0 : i32
            %dma_wait3A_132 = tpu.memref_slice %arg8[%dma_wait3A_130, %dma_wait3A_131] : memref<100000x128xf32, #tpu.memory_space<hbm>> -> memref<64x128xf32, #tpu.memory_space<hbm>>
            %dma_wait3A_133 = arith.constant 0 : i32
            %dma_wait3A_134 = arith.constant 0 : i32
            %dma_wait3A_135 = tpu.memref_slice %arg8[%dma_wait3A_133, %dma_wait3A_134] : memref<100000x128xf32, #tpu.memory_space<hbm>> -> memref<64x128xf32, #tpu.memory_space<hbm>>
            tpu.wait_dma2 semaphore(%arg24 : memref<!tpu.dma_semaphore, #tpu.memory_space<semaphore_mem>>) src(%arg15 : memref<64x128xf32, #tpu.memory_space<vmem>>) dst(%dma_wait3A_135 : memref<64x128xf32, #tpu.memory_space<hbm>>)
          } else {
          }
          %add3A_118 = arith.constant 1 : i32
          %add3A_119 = arith.addi %add3A_78, %add3A_118 : i32
          %mul3A_120 = arith.constant 64 : i32
          %mul3A_121 = arith.muli %add3A_119, %mul3A_120 : i32
          %dma_start3A_122 = tpu.memref_slice %arg13[%mul3A_121] : memref<3136xi32, #tpu.memory_space<vmem>> -> memref<64xi32, #tpu.memory_space<vmem>>
          %dma_start3A_123 = arith.constant 0 : i32
          %dma_start3A_124 = arith.constant 0 : i32
          %dma_start3A_125 = tpu.memref_slice %arg9[%dma_start3A_123, %dma_start3A_124] : memref<4096x128xf32, #tpu.memory_space<vmem_shared>> -> memref<4096x128xf32, #tpu.memory_space<vmem_shared>>
          tpu.enqueue_indirect_dma source(%dma_start3A_125 : memref<4096x128xf32, #tpu.memory_space<vmem_shared>>) target(%arg15 : memref<64x128xf32, #tpu.memory_space<vmem>>) offsets(%dma_start3A_122 : memref<64xi32, #tpu.memory_space<vmem>>) semaphore(%arg21 : memref<!tpu.dma_semaphore, #tpu.memory_space<semaphore_mem>>)
          %dma_start3A_126 = tpu.memref_slice %arg14[%mul3A_121] : memref<3136xi32, #tpu.memory_space<vmem>> -> memref<64xi32, #tpu.memory_space<vmem>>
          %dma_start3A_127 = arith.constant 0 : i32
          %dma_start3A_128 = arith.constant 0 : i32
          %dma_start3A_129 = tpu.memref_slice %arg10[%dma_start3A_127, %dma_start3A_128] : memref<4096x128xf32, #tpu.memory_space<vmem_shared>> -> memref<4096x128xf32, #tpu.memory_space<vmem_shared>>
          tpu.enqueue_indirect_dma source(%dma_start3A_129 : memref<4096x128xf32, #tpu.memory_space<vmem_shared>>) target(%arg18 : memref<64x128xf32, #tpu.memory_space<vmem>>) offsets(%dma_start3A_126 : memref<64xi32, #tpu.memory_space<vmem>>) semaphore(%arg21 : memref<!tpu.dma_semaphore, #tpu.memory_space<semaphore_mem>>)
        } else {
        }
        %dma_wait3A_89 = arith.constant 0 : i32
        %dma_wait3A_90 = arith.constant 0 : i32
        %dma_wait3A_91 = tpu.memref_slice %arg6[%dma_wait3A_89, %dma_wait3A_90] : memref<4096x128xf32, #tpu.memory_space<hbm>> -> memref<64x128xf32, #tpu.memory_space<hbm>>
        %dma_wait3A_92 = arith.constant 0 : i32
        %dma_wait3A_93 = arith.constant 0 : i32
        %dma_wait3A_94 = tpu.memref_slice %arg6[%dma_wait3A_92, %dma_wait3A_93] : memref<4096x128xf32, #tpu.memory_space<hbm>> -> memref<64x128xf32, #tpu.memory_space<hbm>>
        tpu.wait_dma2 semaphore(%arg23 : memref<!tpu.dma_semaphore, #tpu.memory_space<semaphore_mem>>) src(%dma_wait3A_94 : memref<64x128xf32, #tpu.memory_space<hbm>>) dst(%arg17 : memref<64x128xf32, #tpu.memory_space<vmem>>)
        %dma_wait3A_95 = arith.constant 0 : i32
        %dma_wait3A_96 = arith.constant 0 : i32
        %dma_wait3A_97 = tpu.memref_slice %arg6[%dma_wait3A_95, %dma_wait3A_96] : memref<4096x128xf32, #tpu.memory_space<hbm>> -> memref<64x128xf32, #tpu.memory_space<hbm>>
        %dma_wait3A_98 = arith.constant 0 : i32
        %dma_wait3A_99 = arith.constant 0 : i32
        %dma_wait3A_100 = tpu.memref_slice %arg6[%dma_wait3A_98, %dma_wait3A_99] : memref<4096x128xf32, #tpu.memory_space<hbm>> -> memref<64x128xf32, #tpu.memory_space<hbm>>
        tpu.wait_dma2 semaphore(%arg23 : memref<!tpu.dma_semaphore, #tpu.memory_space<semaphore_mem>>) src(%dma_wait3A_100 : memref<64x128xf32, #tpu.memory_space<hbm>>) dst(%arg20 : memref<64x128xf32, #tpu.memory_space<vmem>>)
        %scan3A_101 = arith.constant 0 : i32
        %scan3A_102 = arith.constant 0 : i32
        %scan3A_103 = arith.constant 64 : i32
        %scan3A_104 = arith.addi %scan3A_102, %scan3A_103 : i32
        %scan3A_105 = arith.constant 1 : i32
        scf.for %scan3A_114 = %scan3A_102 to %scan3A_104 step %scan3A_105  : i32 {
          %get3A = arith.index_cast %scan3A_114 : i32 to index
          %get3A_115 = arith.constant 0 : index
          %get3A_116 = tpu.vector_load %arg17[%get3A, %get3A_115] {strides = array<i32>} : memref<64x128xf32, #tpu.memory_space<vmem>>, vector<1x16xf32>,
          %get3A_117 = vector.shape_cast %get3A_116 : vector<1x16xf32> to vector<16xf32>
          %get3A_118 = arith.index_cast %scan3A_114 : i32 to index
          %get3A_119 = arith.constant 0 : index
          %get3A_120 = tpu.vector_load %arg20[%get3A_118, %get3A_119] {strides = array<i32>} : memref<64x128xf32, #tpu.memory_space<vmem>>, vector<1x16xf32>,
          %get3A_121 = vector.shape_cast %get3A_120 : vector<1x16xf32> to vector<16xf32>
          %add3A_122 = arith.addf %get3A_117, %get3A_121 : vector<16xf32>
          %swap3A = arith.index_cast %scan3A_114 : i32 to index
          %swap3A_123 = arith.constant 0 : index
          %swap3A_124 = tpu.vector_load %arg17[%swap3A, %swap3A_123] {strides = array<i32>} : memref<64x128xf32, #tpu.memory_space<vmem>>, vector<1x16xf32>,
          %swap3A_125 = vector.shape_cast %swap3A_124 : vector<1x16xf32> to vector<16xf32>
          %swap3A_126 = vector.shape_cast %add3A_122 : vector<16xf32> to vector<1x16xf32>
          tpu.vector_store %arg17[%swap3A, %swap3A_123], %swap3A_126 {strides = array<i32>} : memref<64x128xf32, #tpu.memory_space<vmem>>, vector<1x16xf32>,
          %get3A_127 = arith.index_cast %scan3A_114 : i32 to index
          %get3A_128 = arith.constant 16 : index
          %get3A_129 = tpu.vector_load %arg17[%get3A_127, %get3A_128] {strides = array<i32>} : memref<64x128xf32, #tpu.memory_space<vmem>>, vector<1x16xf32>,
          %get3A_130 = vector.shape_cast %get3A_129 : vector<1x16xf32> to vector<16xf32>
          %get3A_131 = arith.index_cast %scan3A_114 : i32 to index
          %get3A_132 = arith.constant 16 : index
          %get3A_133 = tpu.vector_load %arg20[%get3A_131, %get3A_132] {strides = array<i32>} : memref<64x128xf32, #tpu.memory_space<vmem>>, vector<1x16xf32>,
          %get3A_134 = vector.shape_cast %get3A_133 : vector<1x16xf32> to vector<16xf32>
          %add3A_135 = arith.addf %get3A_130, %get3A_134 : vector<16xf32>
          %swap3A_136 = arith.index_cast %scan3A_114 : i32 to index
          %swap3A_137 = arith.constant 16 : index
          %swap3A_138 = tpu.vector_load %arg17[%swap3A_136, %swap3A_137] {strides = array<i32>} : memref<64x128xf32, #tpu.memory_space<vmem>>, vector<1x16xf32>,
          %swap3A_139 = vector.shape_cast %swap3A_138 : vector<1x16xf32> to vector<16xf32>
          %swap3A_140 = vector.shape_cast %add3A_135 : vector<16xf32> to vector<1x16xf32>
          tpu.vector_store %arg17[%swap3A_136, %swap3A_137], %swap3A_140 {strides = array<i32>} : memref<64x128xf32, #tpu.memory_space<vmem>>, vector<1x16xf32>,
          %get3A_141 = arith.index_cast %scan3A_114 : i32 to index
          %get3A_142 = arith.constant 32 : index
          %get3A_143 = tpu.vector_load %arg17[%get3A_141, %get3A_142] {strides = array<i32>} : memref<64x128xf32, #tpu.memory_space<vmem>>, vector<1x16xf32>,
          %get3A_144 = vector.shape_cast %get3A_143 : vector<1x16xf32> to vector<16xf32>
          %get3A_145 = arith.index_cast %scan3A_114 : i32 to index
          %get3A_146 = arith.constant 32 : index
          %get3A_147 = tpu.vector_load %arg20[%get3A_145, %get3A_146] {strides = array<i32>} : memref<64x128xf32, #tpu.memory_space<vmem>>, vector<1x16xf32>,
          %get3A_148 = vector.shape_cast %get3A_147 : vector<1x16xf32> to vector<16xf32>
          %add3A_149 = arith.addf %get3A_144, %get3A_148 : vector<16xf32>
          %swap3A_150 = arith.index_cast %scan3A_114 : i32 to index
          %swap3A_151 = arith.constant 32 : index
          %swap3A_152 = tpu.vector_load %arg17[%swap3A_150, %swap3A_151] {strides = array<i32>} : memref<64x128xf32, #tpu.memory_space<vmem>>, vector<1x16xf32>,
          %swap3A_153 = vector.shape_cast %swap3A_152 : vector<1x16xf32> to vector<16xf32>
          %swap3A_154 = vector.shape_cast %add3A_149 : vector<16xf32> to vector<1x16xf32>
          tpu.vector_store %arg17[%swap3A_150, %swap3A_151], %swap3A_154 {strides = array<i32>} : memref<64x128xf32, #tpu.memory_space<vmem>>, vector<1x16xf32>,
          %get3A_155 = arith.index_cast %scan3A_114 : i32 to index
          %get3A_156 = arith.constant 48 : index
          %get3A_157 = tpu.vector_load %arg17[%get3A_155, %get3A_156] {strides = array<i32>} : memref<64x128xf32, #tpu.memory_space<vmem>>, vector<1x16xf32>,
          %get3A_158 = vector.shape_cast %get3A_157 : vector<1x16xf32> to vector<16xf32>
          %get3A_159 = arith.index_cast %scan3A_114 : i32 to index
          %get3A_160 = arith.constant 48 : index
          %get3A_161 = tpu.vector_load %arg20[%get3A_159, %get3A_160] {strides = array<i32>} : memref<64x128xf32, #tpu.memory_space<vmem>>, vector<1x16xf32>,
          %get3A_162 = vector.shape_cast %get3A_161 : vector<1x16xf32> to vector<16xf32>
          %add3A_163 = arith.addf %get3A_158, %get3A_162 : vector<16xf32>
          %swap3A_164 = arith.index_cast %scan3A_114 : i32 to index
          %swap3A_165 = arith.constant 48 : index
          %swap3A_166 = tpu.vector_load %arg17[%swap3A_164, %swap3A_165] {strides = array<i32>} : memref<64x128xf32, #tpu.memory_space<vmem>>, vector<1x16xf32>,
          %swap3A_167 = vector.shape_cast %swap3A_166 : vector<1x16xf32> to vector<16xf32>
          %swap3A_168 = vector.shape_cast %add3A_163 : vector<16xf32> to vector<1x16xf32>
          tpu.vector_store %arg17[%swap3A_164, %swap3A_165], %swap3A_168 {strides = array<i32>} : memref<64x128xf32, #tpu.memory_space<vmem>>, vector<1x16xf32>,
          %get3A_169 = arith.index_cast %scan3A_114 : i32 to index
          %get3A_170 = arith.constant 64 : index
          %get3A_171 = tpu.vector_load %arg17[%get3A_169, %get3A_170] {strides = array<i32>} : memref<64x128xf32, #tpu.memory_space<vmem>>, vector<1x16xf32>,
          %get3A_172 = vector.shape_cast %get3A_171 : vector<1x16xf32> to vector<16xf32>
          %get3A_173 = arith.index_cast %scan3A_114 : i32 to index
          %get3A_174 = arith.constant 64 : index
          %get3A_175 = tpu.vector_load %arg20[%get3A_173, %get3A_174] {strides = array<i32>} : memref<64x128xf32, #tpu.memory_space<vmem>>, vector<1x16xf32>,
          %get3A_176 = vector.shape_cast %get3A_175 : vector<1x16xf32> to vector<16xf32>
          %add3A_177 = arith.addf %get3A_172, %get3A_176 : vector<16xf32>
          %swap3A_178 = arith.index_cast %scan3A_114 : i32 to index
          %swap3A_179 = arith.constant 64 : index
          %swap3A_180 = tpu.vector_load %arg17[%swap3A_178, %swap3A_179] {strides = array<i32>} : memref<64x128xf32, #tpu.memory_space<vmem>>, vector<1x16xf32>,
          %swap3A_181 = vector.shape_cast %swap3A_180 : vector<1x16xf32> to vector<16xf32>
          %swap3A_182 = vector.shape_cast %add3A_177 : vector<16xf32> to vector<1x16xf32>
          tpu.vector_store %arg17[%swap3A_178, %swap3A_179], %swap3A_182 {strides = array<i32>} : memref<64x128xf32, #tpu.memory_space<vmem>>, vector<1x16xf32>,
          %get3A_183 = arith.index_cast %scan3A_114 : i32 to index
          %get3A_184 = arith.constant 80 : index
          %get3A_185 = tpu.vector_load %arg17[%get3A_183, %get3A_184] {strides = array<i32>} : memref<64x128xf32, #tpu.memory_space<vmem>>, vector<1x16xf32>,
          %get3A_186 = vector.shape_cast %get3A_185 : vector<1x16xf32> to vector<16xf32>
          %get3A_187 = arith.index_cast %scan3A_114 : i32 to index
          %get3A_188 = arith.constant 80 : index
          %get3A_189 = tpu.vector_load %arg20[%get3A_187, %get3A_188] {strides = array<i32>} : memref<64x128xf32, #tpu.memory_space<vmem>>, vector<1x16xf32>,
          %get3A_190 = vector.shape_cast %get3A_189 : vector<1x16xf32> to vector<16xf32>
          %add3A_191 = arith.addf %get3A_186, %get3A_190 : vector<16xf32>
          %swap3A_192 = arith.index_cast %scan3A_114 : i32 to index
          %swap3A_193 = arith.constant 80 : index
          %swap3A_194 = tpu.vector_load %arg17[%swap3A_192, %swap3A_193] {strides = array<i32>} : memref<64x128xf32, #tpu.memory_space<vmem>>, vector<1x16xf32>,
          %swap3A_195 = vector.shape_cast %swap3A_194 : vector<1x16xf32> to vector<16xf32>
          %swap3A_196 = vector.shape_cast %add3A_191 : vector<16xf32> to vector<1x16xf32>
          tpu.vector_store %arg17[%swap3A_192, %swap3A_193], %swap3A_196 {strides = array<i32>} : memref<64x128xf32, #tpu.memory_space<vmem>>, vector<1x16xf32>,
          %get3A_197 = arith.index_cast %scan3A_114 : i32 to index
          %get3A_198 = arith.constant 96 : index
          %get3A_199 = tpu.vector_load %arg17[%get3A_197, %get3A_198] {strides = array<i32>} : memref<64x128xf32, #tpu.memory_space<vmem>>, vector<1x16xf32>,
          %get3A_200 = vector.shape_cast %get3A_199 : vector<1x16xf32> to vector<16xf32>
          %get3A_201 = arith.index_cast %scan3A_114 : i32 to index
          %get3A_202 = arith.constant 96 : index
          %get3A_203 = tpu.vector_load %arg20[%get3A_201, %get3A_202] {strides = array<i32>} : memref<64x128xf32, #tpu.memory_space<vmem>>, vector<1x16xf32>,
          %get3A_204 = vector.shape_cast %get3A_203 : vector<1x16xf32> to vector<16xf32>
          %add3A_205 = arith.addf %get3A_200, %get3A_204 : vector<16xf32>
          %swap3A_206 = arith.index_cast %scan3A_114 : i32 to index
          %swap3A_207 = arith.constant 96 : index
          %swap3A_208 = tpu.vector_load %arg17[%swap3A_206, %swap3A_207] {strides = array<i32>} : memref<64x128xf32, #tpu.memory_space<vmem>>, vector<1x16xf32>,
          %swap3A_209 = vector.shape_cast %swap3A_208 : vector<1x16xf32> to vector<16xf32>
          %swap3A_210 = vector.shape_cast %add3A_205 : vector<16xf32> to vector<1x16xf32>
          tpu.vector_store %arg17[%swap3A_206, %swap3A_207], %swap3A_210 {strides = array<i32>} : memref<64x128xf32, #tpu.memory_space<vmem>>, vector<1x16xf32>,
          %get3A_211 = arith.index_cast %scan3A_114 : i32 to index
          %get3A_212 = arith.constant 112 : index
          %get3A_213 = tpu.vector_load %arg17[%get3A_211, %get3A_212] {strides = array<i32>} : memref<64x128xf32, #tpu.memory_space<vmem>>, vector<1x16xf32>,
          %get3A_214 = vector.shape_cast %get3A_213 : vector<1x16xf32> to vector<16xf32>
          %get3A_215 = arith.index_cast %scan3A_114 : i32 to index
          %get3A_216 = arith.constant 112 : index
          %get3A_217 = tpu.vector_load %arg20[%get3A_215, %get3A_216] {strides = array<i32>} : memref<64x128xf32, #tpu.memory_space<vmem>>, vector<1x16xf32>,
          %get3A_218 = vector.shape_cast %get3A_217 : vector<1x16xf32> to vector<16xf32>
          %add3A_219 = arith.addf %get3A_214, %get3A_218 : vector<16xf32>
          %swap3A_220 = arith.index_cast %scan3A_114 : i32 to index
          %swap3A_221 = arith.constant 112 : index
          %swap3A_222 = tpu.vector_load %arg17[%swap3A_220, %swap3A_221] {strides = array<i32>} : memref<64x128xf32, #tpu.memory_space<vmem>>, vector<1x16xf32>,
          %swap3A_223 = vector.shape_cast %swap3A_222 : vector<1x16xf32> to vector<16xf32>
          %swap3A_224 = vector.shape_cast %add3A_219 : vector<16xf32> to vector<1x16xf32>
          tpu.vector_store %arg17[%swap3A_220, %swap3A_221], %swap3A_224 {strides = array<i32>} : memref<64x128xf32, #tpu.memory_space<vmem>>, vector<1x16xf32>,
        }
        %scan3A_106 = arith.constant 64 : i32
        %mul3A_107 = arith.constant 64 : i32
        %mul3A_108 = arith.muli %add3A_78, %mul3A_107 : i32
        %add3A_109 = arith.addi %multiple_of3A, %mul3A_108 : i32
        %dma_start3A_110 = arith.constant 0 : i32
        %dma_start3A_111 = tpu.memref_slice %arg8[%add3A_109, %dma_start3A_110] : memref<100000x128xf32, #tpu.memory_space<hbm>> -> memref<64x128xf32, #tpu.memory_space<hbm>>
        %dma_start3A_112 = arith.constant 0 : i32
        %dma_start3A_113 = tpu.memref_slice %arg8[%add3A_109, %dma_start3A_112] : memref<100000x128xf32, #tpu.memory_space<hbm>> -> memref<64x128xf32, #tpu.memory_space<hbm>>
        tpu.enqueue_dma source(%arg17 : memref<64x128xf32, #tpu.memory_space<vmem>>) target(%dma_start3A_113 : memref<64x128xf32, #tpu.memory_space<hbm>>) target_semaphore(%arg26 : memref<!tpu.dma_semaphore, #tpu.memory_space<semaphore_mem>>)
      } else {
      }
    }
    %scan3A_42 = arith.constant 17 : i32
    %dma_wait3A = arith.constant 0 : i32
    %dma_wait3A_43 = arith.constant 0 : i32
    %dma_wait3A_44 = tpu.memref_slice %arg8[%dma_wait3A, %dma_wait3A_43] : memref<100000x128xf32, #tpu.memory_space<hbm>> -> memref<64x128xf32, #tpu.memory_space<hbm>>
    %dma_wait3A_45 = arith.constant 0 : i32
    %dma_wait3A_46 = arith.constant 0 : i32
    %dma_wait3A_47 = tpu.memref_slice %arg8[%dma_wait3A_45, %dma_wait3A_46] : memref<100000x128xf32, #tpu.memory_space<hbm>> -> memref<64x128xf32, #tpu.memory_space<hbm>>
    tpu.wait_dma2 semaphore(%arg24 : memref<!tpu.dma_semaphore, #tpu.memory_space<semaphore_mem>>) src(%arg15 : memref<64x128xf32, #tpu.memory_space<vmem>>) dst(%dma_wait3A_47 : memref<64x128xf32, #tpu.memory_space<hbm>>)
    %dma_wait3A_48 = arith.constant 0 : i32
    %dma_wait3A_49 = arith.constant 0 : i32
    %dma_wait3A_50 = tpu.memref_slice %arg8[%dma_wait3A_48, %dma_wait3A_49] : memref<100000x128xf32, #tpu.memory_space<hbm>> -> memref<64x128xf32, #tpu.memory_space<hbm>>
    %dma_wait3A_51 = arith.constant 0 : i32
    %dma_wait3A_52 = arith.constant 0 : i32
    %dma_wait3A_53 = tpu.memref_slice %arg8[%dma_wait3A_51, %dma_wait3A_52] : memref<100000x128xf32, #tpu.memory_space<hbm>> -> memref<64x128xf32, #tpu.memory_space<hbm>>
    tpu.wait_dma2 semaphore(%arg25 : memref<!tpu.dma_semaphore, #tpu.memory_space<semaphore_mem>>) src(%arg16 : memref<64x128xf32, #tpu.memory_space<vmem>>) dst(%dma_wait3A_53 : memref<64x128xf32, #tpu.memory_space<hbm>>)
    %dma_wait3A_54 = arith.constant 0 : i32
    %dma_wait3A_55 = arith.constant 0 : i32
    %dma_wait3A_56 = tpu.memref_slice %arg8[%dma_wait3A_54, %dma_wait3A_55] : memref<100000x128xf32, #tpu.memory_space<hbm>> -> memref<64x128xf32, #tpu.memory_space<hbm>>
    %dma_wait3A_57 = arith.constant 0 : i32
    %dma_wait3A_58 = arith.constant 0 : i32
    %dma_wait3A_59 = tpu.memref_slice %arg8[%dma_wait3A_57, %dma_wait3A_58] : memref<100000x128xf32, #tpu.memory_space<hbm>> -> memref<64x128xf32, #tpu.memory_space<hbm>>
    tpu.wait_dma2 semaphore(%arg26 : memref<!tpu.dma_semaphore, #tpu.memory_space<semaphore_mem>>) src(%arg17 : memref<64x128xf32, #tpu.memory_space<vmem>>) dst(%dma_wait3A_59 : memref<64x128xf32, #tpu.memory_space<hbm>>)
    %eq3A = arith.constant 31 : i32
    %eq3A_60 = arith.cmpi eq, %add3A, %eq3A : i32
    %convert_element_type3A = arith.extui %eq3A_60 : i1 to i32
    %cond3A = arith.constant 0 : i32
    %cond3A_61 = arith.cmpi ne, %convert_element_type3A, %cond3A : i32
    scf.if %cond3A_61 {
      %dma_start3A_62 = arith.constant 3072 : i32
      %dma_start3A_63 = tpu.memref_slice %arg13[%dma_start3A_62] : memref<3136xi32, #tpu.memory_space<vmem>> -> memref<64xi32, #tpu.memory_space<vmem>>
      %dma_start3A_64 = arith.constant 0 : i32
      %dma_start3A_65 = arith.constant 0 : i32
      %dma_start3A_66 = tpu.memref_slice %arg9[%dma_start3A_64, %dma_start3A_65] : memref<4096x128xf32, #tpu.memory_space<vmem_shared>> -> memref<4096x128xf32, #tpu.memory_space<vmem_shared>>
      tpu.enqueue_indirect_dma source(%dma_start3A_66 : memref<4096x128xf32, #tpu.memory_space<vmem_shared>>) target(%arg15 : memref<64x128xf32, #tpu.memory_space<vmem>>) offsets(%dma_start3A_63 : memref<64xi32, #tpu.memory_space<vmem>>) semaphore(%arg21 : memref<!tpu.dma_semaphore, #tpu.memory_space<semaphore_mem>>)
      %dma_start3A_67 = arith.constant 3072 : i32
      %dma_start3A_68 = tpu.memref_slice %arg14[%dma_start3A_67] : memref<3136xi32, #tpu.memory_space<vmem>> -> memref<64xi32, #tpu.memory_space<vmem>>
      %dma_start3A_69 = arith.constant 0 : i32
      %dma_start3A_70 = arith.constant 0 : i32
      %dma_start3A_71 = tpu.memref_slice %arg10[%dma_start3A_69, %dma_start3A_70] : memref<4096x128xf32, #tpu.memory_space<vmem_shared>> -> memref<4096x128xf32, #tpu.memory_space<vmem_shared>>
      tpu.enqueue_indirect_dma source(%dma_start3A_71 : memref<4096x128xf32, #tpu.memory_space<vmem_shared>>) target(%arg18 : memref<64x128xf32, #tpu.memory_space<vmem>>) offsets(%dma_start3A_68 : memref<64xi32, #tpu.memory_space<vmem>>) semaphore(%arg21 : memref<!tpu.dma_semaphore, #tpu.memory_space<semaphore_mem>>)
      %dma_wait3A_72 = arith.constant 0 : i32
      %dma_wait3A_73 = arith.constant 0 : i32
      %dma_wait3A_74 = tpu.memref_slice %arg6[%dma_wait3A_72, %dma_wait3A_73] : memref<4096x128xf32, #tpu.memory_space<hbm>> -> memref<64x128xf32, #tpu.memory_space<hbm>>
      %dma_wait3A_75 = arith.constant 0 : i32
      %dma_wait3A_76 = arith.constant 0 : i32
      %dma_wait3A_77 = tpu.memref_slice %arg6[%dma_wait3A_75, %dma_wait3A_76] : memref<4096x128xf32, #tpu.memory_space<hbm>> -> memref<64x128xf32, #tpu.memory_space<hbm>>
      tpu.wait_dma2 semaphore(%arg21 : memref<!tpu.dma_semaphore, #tpu.memory_space<semaphore_mem>>) src(%dma_wait3A_77 : memref<64x128xf32, #tpu.memory_space<hbm>>) dst(%arg15 : memref<64x128xf32, #tpu.memory_space<vmem>>)
      %dma_wait3A_78 = arith.constant 0 : i32
      %dma_wait3A_79 = arith.constant 0 : i32
      %dma_wait3A_80 = tpu.memref_slice %arg6[%dma_wait3A_78, %dma_wait3A_79] : memref<4096x128xf32, #tpu.memory_space<hbm>> -> memref<64x128xf32, #tpu.memory_space<hbm>>
      %dma_wait3A_81 = arith.constant 0 : i32
      %dma_wait3A_82 = arith.constant 0 : i32
      %dma_wait3A_83 = tpu.memref_slice %arg6[%dma_wait3A_81, %dma_wait3A_82] : memref<4096x128xf32, #tpu.memory_space<hbm>> -> memref<64x128xf32, #tpu.memory_space<hbm>>
      tpu.wait_dma2 semaphore(%arg21 : memref<!tpu.dma_semaphore, #tpu.memory_space<semaphore_mem>>) src(%dma_wait3A_83 : memref<64x128xf32, #tpu.memory_space<hbm>>) dst(%arg18 : memref<64x128xf32, #tpu.memory_space<vmem>>)
      %scan3A_84 = arith.constant 0 : i32
      %scan3A_85 = arith.constant 0 : i32
      %scan3A_86 = arith.constant 64 : i32
      %scan3A_87 = arith.addi %scan3A_85, %scan3A_86 : i32
      %scan3A_88 = arith.constant 1 : i32
      scf.for %scan3A_90 = %scan3A_85 to %scan3A_87 step %scan3A_88  : i32 {
        %get3A = arith.index_cast %scan3A_90 : i32 to index
        %get3A_91 = arith.constant 0 : index
        %get3A_92 = tpu.vector_load %arg15[%get3A, %get3A_91] {strides = array<i32>} : memref<64x128xf32, #tpu.memory_space<vmem>>, vector<1x16xf32>,
        %get3A_93 = vector.shape_cast %get3A_92 : vector<1x16xf32> to vector<16xf32>
        %get3A_94 = arith.index_cast %scan3A_90 : i32 to index
        %get3A_95 = arith.constant 0 : index
        %get3A_96 = tpu.vector_load %arg18[%get3A_94, %get3A_95] {strides = array<i32>} : memref<64x128xf32, #tpu.memory_space<vmem>>, vector<1x16xf32>,
        %get3A_97 = vector.shape_cast %get3A_96 : vector<1x16xf32> to vector<16xf32>
        %add3A_98 = arith.addf %get3A_93, %get3A_97 : vector<16xf32>
        %swap3A = arith.index_cast %scan3A_90 : i32 to index
        %swap3A_99 = arith.constant 0 : index
        %swap3A_100 = tpu.vector_load %arg15[%swap3A, %swap3A_99] {strides = array<i32>} : memref<64x128xf32, #tpu.memory_space<vmem>>, vector<1x16xf32>,
        %swap3A_101 = vector.shape_cast %swap3A_100 : vector<1x16xf32> to vector<16xf32>
        %swap3A_102 = vector.shape_cast %add3A_98 : vector<16xf32> to vector<1x16xf32>
        tpu.vector_store %arg15[%swap3A, %swap3A_99], %swap3A_102 {strides = array<i32>} : memref<64x128xf32, #tpu.memory_space<vmem>>, vector<1x16xf32>,
        %get3A_103 = arith.index_cast %scan3A_90 : i32 to index
        %get3A_104 = arith.constant 16 : index
        %get3A_105 = tpu.vector_load %arg15[%get3A_103, %get3A_104] {strides = array<i32>} : memref<64x128xf32, #tpu.memory_space<vmem>>, vector<1x16xf32>,
        %get3A_106 = vector.shape_cast %get3A_105 : vector<1x16xf32> to vector<16xf32>
        %get3A_107 = arith.index_cast %scan3A_90 : i32 to index
        %get3A_108 = arith.constant 16 : index
        %get3A_109 = tpu.vector_load %arg18[%get3A_107, %get3A_108] {strides = array<i32>} : memref<64x128xf32, #tpu.memory_space<vmem>>, vector<1x16xf32>,
        %get3A_110 = vector.shape_cast %get3A_109 : vector<1x16xf32> to vector<16xf32>
        %add3A_111 = arith.addf %get3A_106, %get3A_110 : vector<16xf32>
        %swap3A_112 = arith.index_cast %scan3A_90 : i32 to index
        %swap3A_113 = arith.constant 16 : index
        %swap3A_114 = tpu.vector_load %arg15[%swap3A_112, %swap3A_113] {strides = array<i32>} : memref<64x128xf32, #tpu.memory_space<vmem>>, vector<1x16xf32>,
        %swap3A_115 = vector.shape_cast %swap3A_114 : vector<1x16xf32> to vector<16xf32>
        %swap3A_116 = vector.shape_cast %add3A_111 : vector<16xf32> to vector<1x16xf32>
        tpu.vector_store %arg15[%swap3A_112, %swap3A_113], %swap3A_116 {strides = array<i32>} : memref<64x128xf32, #tpu.memory_space<vmem>>, vector<1x16xf32>,
        %get3A_117 = arith.index_cast %scan3A_90 : i32 to index
        %get3A_118 = arith.constant 32 : index
        %get3A_119 = tpu.vector_load %arg15[%get3A_117, %get3A_118] {strides = array<i32>} : memref<64x128xf32, #tpu.memory_space<vmem>>, vector<1x16xf32>,
        %get3A_120 = vector.shape_cast %get3A_119 : vector<1x16xf32> to vector<16xf32>
        %get3A_121 = arith.index_cast %scan3A_90 : i32 to index
        %get3A_122 = arith.constant 32 : index
        %get3A_123 = tpu.vector_load %arg18[%get3A_121, %get3A_122] {strides = array<i32>} : memref<64x128xf32, #tpu.memory_space<vmem>>, vector<1x16xf32>,
        %get3A_124 = vector.shape_cast %get3A_123 : vector<1x16xf32> to vector<16xf32>
        %add3A_125 = arith.addf %get3A_120, %get3A_124 : vector<16xf32>
        %swap3A_126 = arith.index_cast %scan3A_90 : i32 to index
        %swap3A_127 = arith.constant 32 : index
        %swap3A_128 = tpu.vector_load %arg15[%swap3A_126, %swap3A_127] {strides = array<i32>} : memref<64x128xf32, #tpu.memory_space<vmem>>, vector<1x16xf32>,
        %swap3A_129 = vector.shape_cast %swap3A_128 : vector<1x16xf32> to vector<16xf32>
        %swap3A_130 = vector.shape_cast %add3A_125 : vector<16xf32> to vector<1x16xf32>
        tpu.vector_store %arg15[%swap3A_126, %swap3A_127], %swap3A_130 {strides = array<i32>} : memref<64x128xf32, #tpu.memory_space<vmem>>, vector<1x16xf32>,
        %get3A_131 = arith.index_cast %scan3A_90 : i32 to index
        %get3A_132 = arith.constant 48 : index
        %get3A_133 = tpu.vector_load %arg15[%get3A_131, %get3A_132] {strides = array<i32>} : memref<64x128xf32, #tpu.memory_space<vmem>>, vector<1x16xf32>,
        %get3A_134 = vector.shape_cast %get3A_133 : vector<1x16xf32> to vector<16xf32>
        %get3A_135 = arith.index_cast %scan3A_90 : i32 to index
        %get3A_136 = arith.constant 48 : index
        %get3A_137 = tpu.vector_load %arg18[%get3A_135, %get3A_136] {strides = array<i32>} : memref<64x128xf32, #tpu.memory_space<vmem>>, vector<1x16xf32>,
        %get3A_138 = vector.shape_cast %get3A_137 : vector<1x16xf32> to vector<16xf32>
        %add3A_139 = arith.addf %get3A_134, %get3A_138 : vector<16xf32>
        %swap3A_140 = arith.index_cast %scan3A_90 : i32 to index
        %swap3A_141 = arith.constant 48 : index
        %swap3A_142 = tpu.vector_load %arg15[%swap3A_140, %swap3A_141] {strides = array<i32>} : memref<64x128xf32, #tpu.memory_space<vmem>>, vector<1x16xf32>,
        %swap3A_143 = vector.shape_cast %swap3A_142 : vector<1x16xf32> to vector<16xf32>
        %swap3A_144 = vector.shape_cast %add3A_139 : vector<16xf32> to vector<1x16xf32>
        tpu.vector_store %arg15[%swap3A_140, %swap3A_141], %swap3A_144 {strides = array<i32>} : memref<64x128xf32, #tpu.memory_space<vmem>>, vector<1x16xf32>,
        %get3A_145 = arith.index_cast %scan3A_90 : i32 to index
        %get3A_146 = arith.constant 64 : index
        %get3A_147 = tpu.vector_load %arg15[%get3A_145, %get3A_146] {strides = array<i32>} : memref<64x128xf32, #tpu.memory_space<vmem>>, vector<1x16xf32>,
        %get3A_148 = vector.shape_cast %get3A_147 : vector<1x16xf32> to vector<16xf32>
        %get3A_149 = arith.index_cast %scan3A_90 : i32 to index
        %get3A_150 = arith.constant 64 : index
        %get3A_151 = tpu.vector_load %arg18[%get3A_149, %get3A_150] {strides = array<i32>} : memref<64x128xf32, #tpu.memory_space<vmem>>, vector<1x16xf32>,
        %get3A_152 = vector.shape_cast %get3A_151 : vector<1x16xf32> to vector<16xf32>
        %add3A_153 = arith.addf %get3A_148, %get3A_152 : vector<16xf32>
        %swap3A_154 = arith.index_cast %scan3A_90 : i32 to index
        %swap3A_155 = arith.constant 64 : index
        %swap3A_156 = tpu.vector_load %arg15[%swap3A_154, %swap3A_155] {strides = array<i32>} : memref<64x128xf32, #tpu.memory_space<vmem>>, vector<1x16xf32>,
        %swap3A_157 = vector.shape_cast %swap3A_156 : vector<1x16xf32> to vector<16xf32>
        %swap3A_158 = vector.shape_cast %add3A_153 : vector<16xf32> to vector<1x16xf32>
        tpu.vector_store %arg15[%swap3A_154, %swap3A_155], %swap3A_158 {strides = array<i32>} : memref<64x128xf32, #tpu.memory_space<vmem>>, vector<1x16xf32>,
        %get3A_159 = arith.index_cast %scan3A_90 : i32 to index
        %get3A_160 = arith.constant 80 : index
        %get3A_161 = tpu.vector_load %arg15[%get3A_159, %get3A_160] {strides = array<i32>} : memref<64x128xf32, #tpu.memory_space<vmem>>, vector<1x16xf32>,
        %get3A_162 = vector.shape_cast %get3A_161 : vector<1x16xf32> to vector<16xf32>
        %get3A_163 = arith.index_cast %scan3A_90 : i32 to index
        %get3A_164 = arith.constant 80 : index
        %get3A_165 = tpu.vector_load %arg18[%get3A_163, %get3A_164] {strides = array<i32>} : memref<64x128xf32, #tpu.memory_space<vmem>>, vector<1x16xf32>,
        %get3A_166 = vector.shape_cast %get3A_165 : vector<1x16xf32> to vector<16xf32>
        %add3A_167 = arith.addf %get3A_162, %get3A_166 : vector<16xf32>
        %swap3A_168 = arith.index_cast %scan3A_90 : i32 to index
        %swap3A_169 = arith.constant 80 : index
        %swap3A_170 = tpu.vector_load %arg15[%swap3A_168, %swap3A_169] {strides = array<i32>} : memref<64x128xf32, #tpu.memory_space<vmem>>, vector<1x16xf32>,
        %swap3A_171 = vector.shape_cast %swap3A_170 : vector<1x16xf32> to vector<16xf32>
        %swap3A_172 = vector.shape_cast %add3A_167 : vector<16xf32> to vector<1x16xf32>
        tpu.vector_store %arg15[%swap3A_168, %swap3A_169], %swap3A_172 {strides = array<i32>} : memref<64x128xf32, #tpu.memory_space<vmem>>, vector<1x16xf32>,
        %get3A_173 = arith.index_cast %scan3A_90 : i32 to index
        %get3A_174 = arith.constant 96 : index
        %get3A_175 = tpu.vector_load %arg15[%get3A_173, %get3A_174] {strides = array<i32>} : memref<64x128xf32, #tpu.memory_space<vmem>>, vector<1x16xf32>,
        %get3A_176 = vector.shape_cast %get3A_175 : vector<1x16xf32> to vector<16xf32>
        %get3A_177 = arith.index_cast %scan3A_90 : i32 to index
        %get3A_178 = arith.constant 96 : index
        %get3A_179 = tpu.vector_load %arg18[%get3A_177, %get3A_178] {strides = array<i32>} : memref<64x128xf32, #tpu.memory_space<vmem>>, vector<1x16xf32>,
        %get3A_180 = vector.shape_cast %get3A_179 : vector<1x16xf32> to vector<16xf32>
        %add3A_181 = arith.addf %get3A_176, %get3A_180 : vector<16xf32>
        %swap3A_182 = arith.index_cast %scan3A_90 : i32 to index
        %swap3A_183 = arith.constant 96 : index
        %swap3A_184 = tpu.vector_load %arg15[%swap3A_182, %swap3A_183] {strides = array<i32>} : memref<64x128xf32, #tpu.memory_space<vmem>>, vector<1x16xf32>,
        %swap3A_185 = vector.shape_cast %swap3A_184 : vector<1x16xf32> to vector<16xf32>
        %swap3A_186 = vector.shape_cast %add3A_181 : vector<16xf32> to vector<1x16xf32>
        tpu.vector_store %arg15[%swap3A_182, %swap3A_183], %swap3A_186 {strides = array<i32>} : memref<64x128xf32, #tpu.memory_space<vmem>>, vector<1x16xf32>,
        %get3A_187 = arith.index_cast %scan3A_90 : i32 to index
        %get3A_188 = arith.constant 112 : index
        %get3A_189 = tpu.vector_load %arg15[%get3A_187, %get3A_188] {strides = array<i32>} : memref<64x128xf32, #tpu.memory_space<vmem>>, vector<1x16xf32>,
        %get3A_190 = vector.shape_cast %get3A_189 : vector<1x16xf32> to vector<16xf32>
        %get3A_191 = arith.index_cast %scan3A_90 : i32 to index
        %get3A_192 = arith.constant 112 : index
        %get3A_193 = tpu.vector_load %arg18[%get3A_191, %get3A_192] {strides = array<i32>} : memref<64x128xf32, #tpu.memory_space<vmem>>, vector<1x16xf32>,
        %get3A_194 = vector.shape_cast %get3A_193 : vector<1x16xf32> to vector<16xf32>
        %add3A_195 = arith.addf %get3A_190, %get3A_194 : vector<16xf32>
        %swap3A_196 = arith.index_cast %scan3A_90 : i32 to index
        %swap3A_197 = arith.constant 112 : index
        %swap3A_198 = tpu.vector_load %arg15[%swap3A_196, %swap3A_197] {strides = array<i32>} : memref<64x128xf32, #tpu.memory_space<vmem>>, vector<1x16xf32>,
        %swap3A_199 = vector.shape_cast %swap3A_198 : vector<1x16xf32> to vector<16xf32>
        %swap3A_200 = vector.shape_cast %add3A_195 : vector<16xf32> to vector<1x16xf32>
        tpu.vector_store %arg15[%swap3A_196, %swap3A_197], %swap3A_200 {strides = array<i32>} : memref<64x128xf32, #tpu.memory_space<vmem>>, vector<1x16xf32>,
      }
      %scan3A_89 = arith.constant 64 : i32
      "tpu.region"() ({
        %run_scoped3A = tpu.sem_alloc : memref<!tpu.dma_semaphore, #tpu.memory_space<semaphore_mem>>
        %dma_start3A_90 = arith.constant 0 : i32
        %dma_start3A_91 = arith.constant 0 : i32
        %dma_start3A_92 = tpu.memref_slice %arg15[%dma_start3A_90, %dma_start3A_91] : memref<64x128xf32, #tpu.memory_space<vmem>> -> memref<32x128xf32, #tpu.memory_space<vmem>>
        %dma_start3A_93 = arith.constant 99968 : i32
        %dma_start3A_94 = arith.constant 0 : i32
        %dma_start3A_95 = tpu.memref_slice %arg8[%dma_start3A_93, %dma_start3A_94] : memref<100000x128xf32, #tpu.memory_space<hbm>> -> memref<32x128xf32, #tpu.memory_space<hbm>>
        %dma_start3A_96 = arith.constant 99968 : i32
        %dma_start3A_97 = arith.constant 0 : i32
        %dma_start3A_98 = tpu.memref_slice %arg8[%dma_start3A_96, %dma_start3A_97] : memref<100000x128xf32, #tpu.memory_space<hbm>> -> memref<32x128xf32, #tpu.memory_space<hbm>>
        %dma_start3A_99 = arith.constant 0 : i32
        %dma_start3A_100 = arith.constant 0 : i32
        %dma_start3A_101 = tpu.memref_slice %arg15[%dma_start3A_99, %dma_start3A_100] : memref<64x128xf32, #tpu.memory_space<vmem>> -> memref<32x128xf32, #tpu.memory_space<vmem>>
        tpu.enqueue_dma source(%dma_start3A_101 : memref<32x128xf32, #tpu.memory_space<vmem>>) target(%dma_start3A_98 : memref<32x128xf32, #tpu.memory_space<hbm>>) target_semaphore(%run_scoped3A : memref<!tpu.dma_semaphore, #tpu.memory_space<semaphore_mem>>)
        %dma_wait3A_102 = arith.constant 0 : i32
        %dma_wait3A_103 = arith.constant 0 : i32
        %dma_wait3A_104 = tpu.memref_slice %arg15[%dma_wait3A_102, %dma_wait3A_103] : memref<64x128xf32, #tpu.memory_space<vmem>> -> memref<32x128xf32, #tpu.memory_space<vmem>>
        %dma_wait3A_105 = arith.constant 99968 : i32
        %dma_wait3A_106 = arith.constant 0 : i32
        %dma_wait3A_107 = tpu.memref_slice %arg8[%dma_wait3A_105, %dma_wait3A_106] : memref<100000x128xf32, #tpu.memory_space<hbm>> -> memref<32x128xf32, #tpu.memory_space<hbm>>
        %dma_wait3A_108 = arith.constant 99968 : i32
        %dma_wait3A_109 = arith.constant 0 : i32
        %dma_wait3A_110 = tpu.memref_slice %arg8[%dma_wait3A_108, %dma_wait3A_109] : memref<100000x128xf32, #tpu.memory_space<hbm>> -> memref<32x128xf32, #tpu.memory_space<hbm>>
        %dma_wait3A_111 = arith.constant 0 : i32
        %dma_wait3A_112 = arith.constant 0 : i32
        %dma_wait3A_113 = tpu.memref_slice %arg15[%dma_wait3A_111, %dma_wait3A_112] : memref<64x128xf32, #tpu.memory_space<vmem>> -> memref<32x128xf32, #tpu.memory_space<vmem>>
        tpu.wait_dma2 semaphore(%run_scoped3A : memref<!tpu.dma_semaphore, #tpu.memory_space<semaphore_mem>>) src(%dma_wait3A_113 : memref<32x128xf32, #tpu.memory_space<vmem>>) dst(%dma_wait3A_110 : memref<32x128xf32, #tpu.memory_space<hbm>>)
        tpu.yield
      }) : () -> ()
    } else {
    }
    return
  }
}

module attributes {stable_mosaic.version = 14 : i64} {
  func.func @_pair_body(%arg0: memref<64x128xf32, #tpu.memory_space<vmem>>, %arg1: memref<64x128xf32, #tpu.memory_space<vmem>>, %arg2: memref<64x128xf32, #tpu.memory_space<vmem>>, %arg3: memref<64x128xf32, #tpu.memory_space<vmem>>, %arg4: memref<64x64x128xf32, #tpu.memory_space<vmem>>, %arg5: memref<64x64x128xf32, #tpu.memory_space<vmem>>) attributes {dimension_semantics = [], scalar_prefetch = 0 : i64, scratch_operands = 0 : i64, tpu.core_type = #tpu.core_type<tc>} {
    %get3A = arith.constant 0 : index
    %get3A_0 = arith.constant 0 : index
    %get3A_1 = vector.load %arg0[%get3A, %get3A_0] : memref<64x128xf32, #tpu.memory_space<vmem>>, vector<64x128xf32>
    %broadcast_in_dim3A = vector.shape_cast %get3A_1 : vector<64x128xf32> to vector<64x1x128xf32>
    %get3A_2 = arith.constant 0 : index
    %get3A_3 = arith.constant 0 : index
    %get3A_4 = vector.load %arg1[%get3A_2, %get3A_3] : memref<64x128xf32, #tpu.memory_space<vmem>>, vector<64x128xf32>
    %broadcast_in_dim3A_5 = vector.shape_cast %get3A_4 : vector<64x128xf32> to vector<1x64x128xf32>
    %add3A = vector.broadcast %broadcast_in_dim3A : vector<64x1x128xf32> to vector<64x64x128xf32>
    %add3A_6 = vector.broadcast %broadcast_in_dim3A_5 : vector<1x64x128xf32> to vector<64x64x128xf32>
    %add3A_7 = arith.addf %add3A, %add3A_6 : vector<64x64x128xf32>
    %swap3A = arith.constant 0 : index
    %swap3A_8 = arith.constant 0 : index
    %swap3A_9 = arith.constant 0 : index
    %swap3A_10 = vector.load %arg4[%swap3A, %swap3A_8, %swap3A_9] : memref<64x64x128xf32, #tpu.memory_space<vmem>>, vector<64x64x128xf32>
    tpu.vector_store %arg4[%swap3A, %swap3A_8, %swap3A_9], %add3A_7 {strides = array<i32>} : memref<64x64x128xf32, #tpu.memory_space<vmem>>, vector<64x64x128xf32>,
    %get3A_11 = arith.constant 0 : index
    %get3A_12 = arith.constant 0 : index
    %get3A_13 = vector.load %arg2[%get3A_11, %get3A_12] : memref<64x128xf32, #tpu.memory_space<vmem>>, vector<64x128xf32>
    %broadcast_in_dim3A_14 = vector.shape_cast %get3A_13 : vector<64x128xf32> to vector<64x1x128xf32>
    %get3A_15 = arith.constant 0 : index
    %get3A_16 = arith.constant 0 : index
    %get3A_17 = vector.load %arg3[%get3A_15, %get3A_16] : memref<64x128xf32, #tpu.memory_space<vmem>>, vector<64x128xf32>
    %broadcast_in_dim3A_18 = vector.shape_cast %get3A_17 : vector<64x128xf32> to vector<1x64x128xf32>
    %add3A_19 = vector.broadcast %broadcast_in_dim3A_14 : vector<64x1x128xf32> to vector<64x64x128xf32>
    %add3A_20 = vector.broadcast %broadcast_in_dim3A_18 : vector<1x64x128xf32> to vector<64x64x128xf32>
    %add3A_21 = arith.addf %add3A_19, %add3A_20 : vector<64x64x128xf32>
    %swap3A_22 = arith.constant 0 : index
    %swap3A_23 = arith.constant 0 : index
    %swap3A_24 = arith.constant 0 : index
    %swap3A_25 = vector.load %arg5[%swap3A_22, %swap3A_23, %swap3A_24] : memref<64x64x128xf32, #tpu.memory_space<vmem>>, vector<64x64x128xf32>
    tpu.vector_store %arg5[%swap3A_22, %swap3A_23, %swap3A_24], %add3A_21 {strides = array<i32>} : memref<64x64x128xf32, #tpu.memory_space<vmem>>, vector<64x64x128xf32>,
    return
  }
}

</mosaic_0001>

<sc_bundles>
// kernel: kernel.4.cloned.1.call-start
scs
__scs_entry_jumppad:
0x0: {  	(pc) =	sbr.rel $0x88, $3  }
0x1: {  	(tag) =	ssettag $0x0;
	lr =	simm.s32 $0x1  }
0x2: {  	[smem:$0x3F9C] =	sst lr;
	_ =	strace $0xD0000000  }
0x3: {  	_ = 	snop  }
0x4: {  	_ = 	snop  }
0x5: {  	_ = 	snop  }
0x6: {  	_ = 	snop  }
0x7: {  	_ = 	snop  }
__scs_overlays_trampoline_lowered:
0x8: {  	[smem:$0x3FAB] =	sst s0  }
0x9: {  	[smem:$0x3FAC] =	sst s1  }
0xa: {  	[smem:$0x3FAD] =	sst s2  }
0xb: {  	[smem:$0x3FAE] =	sst s3  }
0xc: {  	[smem:$0x3FAF] =	sst s4  }
0xd: {  	[smem:$0x3FB0] =	sst s5  }
0xe: {  	[smem:$0x3FB1] =	sst s6  }
0xf: {  	[smem:$0x3FB2] =	sst s7  }
0x10: {  	[smem:$0x3FB3] =	sst s8  }
0x11: {  	[smem:$0x3FB4] =	sst s9;
	s0 =	simm.s32 @!p0 $0x0  }
0x12: {  	s1 =	sld [smem:$0x3F9A];
	s0 =	simm.s32 @p0 $0x1  }
0x13: {  	[smem:$0x3FB5] =	sst s0;
	s0 =	simm.s32 @!p1 $0x0  }
0x14: {  	s2 =	sld [smem:$0x3F99];
	s0 =	simm.s32 @p1 $0x1  }
0x15: {  	[smem:$0x3FB6] =	sst s0;
	s0 =	simm.s32 @!p2 $0x0  }
0x16: {  	s3 =	sld [smem:$0x3FDB];
	s0 =	simm.s32 @p2 $0x1  }
0x17: {  	s4 =	simm.s32 $0x1BF5;
	[smem:$0x3FB8] =	sst s0  }
0x18: {  	s0 =	sld [smem:$0x3F9B];
	_ =	swait.ge [sflag:s4], $0x0  }
0x19: {  	s7 =	sld [smem:$0x3F9C]  }
0x1a: {  	s8 =	sadd.s32 $0xFFFFE003, lr  }
0x1b: {  	s9 =	sadd.s32 $0xFFFFFEF7, lr;
	s5 =	simm.s32 $0xFFFFFFFF;
	p2 =	slt.u32 s8, $0xFFFFF086  }
0x1c: {  	p1 =	slt.u32 s9, $0xF7A;
	s5 =	simm.s32 @!p2 $0x0  }
0x1d: {  	s5 =	simm.s32 @p1 $0x1;
	p0 =	seq.s32 s7, s2  }
0x1e: {  	s7 =	smul.u32 @!p0 $0xF7A, s2;
	p2 =	seq.s32 @!p0 s5, $0x0  }
0x1f: {  	s9 =	smul.u32 $0xF7A, s1;
	s8 =	simm.s32 @!p0 $0x1BF5;
	p2 =	por !p2, p0  }
0x20: {  	[sflag:s8] =	ssyncset.s32 @!p0 $0xFFFFF086;
	s6 =	sadd.s32 @!p0 s3, s7;
	s7 =	simm.s32 @!p0 $0x108  }
0x21: {  	s3 =	sadd.s32 s3, s9;
	s6 =	sadd.s32 @!p0 $0x88, s6;
	s7 =	simm.s32 @p2 $0x1082  }
0x22: {  	[simem:s7], [sflag:s8] =	dma.local @!p0 [hbm:s6], $0xF7A  }
0x23: {  	s9 =	sor.u32 $0xD0000000, s2;
	s6 =	simm.s32 $0x108;
	_ =	swait.ge @!p0 [sflag:s8], $0x0  }
0x24: {  	s3 =	sadd.s32 $0x88, s3;
	s6 =	simm.s32 @!p1 $0x1082;
	[sflag:s4] =	ssyncset.s32 $0xFFFFF086  }
0x25: {  	[simem:s6], [sflag:s4] =	dma.local [hbm:s3], $0xF7A  }
0x26: {  	[smem:$0x3F9C] =	sst s1;
	(tag) =	ssettag s2;
	_ =	strace s9  }
0x27: {  	s1 =	sld [smem:$0x3FAC]  }
0x28: {  	s2 =	sld [smem:$0x3FAD]  }
0x29: {  	s4 =	sld [smem:$0x3FAF]  }
0x2a: {  	p0 =	seq.s32 s5, $0x0;
	s5 =	sld [smem:$0x3FB0]  }
0x2b: {  	s6 =	sld [smem:$0x3FB1]  }
0x2c: {  	s7 =	sld [smem:$0x3FB2]  }
0x2d: {  	s3 =	simm.s32 $0x108;
	s8 =	sld [smem:$0x3FB3]  }
0x2e: {  	s3 =	simm.s32 @!p0 $0x1082;
	s9 =	sld [smem:$0x3FB4]  }
0x2f: {  	lr =	sadd.s32 s0, s3;
	s0 =	sld [smem:$0x3FAB]  }
0x30: {  	s3 =	sld [smem:$0x3FAE]  }
0x31: {  	[smem:$0x3FB7] =	sst s10  }
0x32: {  	s10 =	sld [smem:$0x3FB5];
	_ =	sdelay $0x3  }
0x33: {  	p0 =	seq.s32 s10, $0x1;
	s10 =	sld [smem:$0x3FB7];
	_ =	sdelay $0x3  }
0x34: {  	[smem:$0x3FB7] =	sst s10  }
0x35: {  	s10 =	sld [smem:$0x3FB6];
	_ =	sdelay $0x3  }
0x36: {  	p1 =	seq.s32 s10, $0x1;
	s10 =	sld [smem:$0x3FB7];
	_ =	sdelay $0x3  }
0x37: {  	[smem:$0x3FB7] =	sst s10  }
0x38: {  	s10 =	sld [smem:$0x3FB8]  }
0x39: {  	_ = 	snop;
	(pc) =	sbr.ind lr, $3  }
0x3a: {  	_ = 	snop  }
0x3b: {  	_ = 	snop  }
0x3c: {  	p2 =	seq.s32 s10, $0x1;
	s10 =	sld [smem:$0x3FB7]  }
0x3d: {  	_ =	shalt  }
0x3e: {  	_ =	shalt  }
0x3f: {  	_ =	shalt  }
0x40: {  	_ =	shalt  }
0x41: {  	_ =	shalt  }
0x42: {  	_ =	shalt  }
0x43: {  	_ =	shalt  }
0x44: {  	_ =	shalt  }
0x45: {  	_ =	shalt  }
0x46: {  	_ =	shalt  }
0x47: {  	_ =	shalt  }
0x48: {  	_ =	shalt  }
0x49: {  	_ =	shalt  }
0x4a: {  	_ =	shalt  }
0x4b: {  	_ =	shalt  }
0x4c: {  	_ =	shalt  }
0x4d: {  	_ =	shalt  }
0x4e: {  	_ =	shalt  }
0x4f: {  	_ =	shalt  }
0x50: {  	_ =	shalt  }
0x51: {  	_ =	shalt  }
0x52: {  	_ =	shalt  }
0x53: {  	_ =	shalt  }
0x54: {  	_ =	shalt  }
0x55: {  	_ =	shalt  }
0x56: {  	_ =	shalt  }
0x57: {  	_ =	shalt  }
0x58: {  	_ =	shalt  }
0x59: {  	_ =	shalt  }
0x5a: {  	_ =	shalt  }
0x5b: {  	_ =	shalt  }
0x5c: {  	_ =	shalt  }
0x5d: {  	_ =	shalt  }
0x5e: {  	_ =	shalt  }
0x5f: {  	_ =	shalt  }
0x60: {  	_ =	shalt  }
0x61: {  	_ =	shalt  }
0x62: {  	_ =	shalt  }
0x63: {  	_ =	shalt  }
0x64: {  	_ =	shalt  }
0x65: {  	_ =	shalt  }
0x66: {  	_ =	shalt  }
0x67: {  	_ =	shalt  }
0x68: {  	_ =	shalt  }
0x69: {  	_ =	shalt  }
0x6a: {  	_ =	shalt  }
0x6b: {  	_ =	shalt  }
0x6c: {  	_ =	shalt  }
0x6d: {  	_ =	shalt  }
0x6e: {  	_ =	shalt  }
0x6f: {  	_ =	shalt  }
0x70: {  	_ =	shalt  }
0x71: {  	_ =	shalt  }
0x72: {  	_ =	shalt  }
0x73: {  	_ =	shalt  }
0x74: {  	_ =	shalt  }
0x75: {  	_ =	shalt  }
0x76: {  	_ =	shalt  }
0x77: {  	_ =	shalt  }
0x78: {  	_ =	shalt  }
0x79: {  	_ =	shalt  }
0x7a: {  	_ =	shalt  }
0x7b: {  	_ =	shalt  }
0x7c: {  	_ =	shalt  }
0x7d: {  	_ =	shalt  }
0x7e: {  	_ =	shalt  }
0x7f: {  	_ =	shalt  }
0x80: {  	_ =	shalt  }
0x81: {  	_ =	shalt  }
0x82: {  	_ =	shalt  }
0x83: {  	_ =	shalt  }
0x84: {  	_ =	shalt  }
0x85: {  	_ =	shalt  }
0x86: {  	_ =	shalt  }
0x87: {  	_ =	shalt  }
.Lfunc_end0:
.L_simem_size_0:
called_computation_lowered:
.L_overlay_start_0:
0x88: {  	s2 =	sld [smem:$0x3FD9]  }
0x89: {  	s3 =	sld [smem:$0x3FFE];
	_ =	sdelay $0x1  }
0x8a: {  	s1 =	srdreg.scid  }
0x8b: {  	s0 =	sand.u32 $0x1, s1  }
0x8c: {  	s17 =	sshll.u32 s0, $0xA;
	s2 =	sadd.s32 s3, s2  }
0x8d: {  	s2 =	sadd.s32 s2, s17  }
0x8e: {  	[smem:$0x3FC3] =	sst s2  }
0x8f: {  	_ = 	snop  }
0x90: {  	s2 =	sld [smem:$0x3FD0];
	(tm) =	ssettm $0x1  }
0x91: {  	s18 =	sld [smem:$0x3FFB];
	_ =	sdelay $0x3  }
0x92: {  	_ =	strace s18  }
0x93: {  	s3 =	sld [smem:$0x3FFC];
	_ =	sdelay $0x3  }
0x94: {  	_ =	strace s3  }
0x95: {  	s3 =	sld [smem:$0x3FFD];
	_ =	sdelay $0x3  }
0x96: {  	_ =	strace s3  }
0x97: {  	_ =	strace $0x8FFFFFFF  }
0x98: {  	s19 =	sld [smem:$0x3FDB];
	_ =	sdelay $0x1  }
0x99: {  	s4 =	simm.s32 $_scs_section_size  }
0x9a: {  	s5 =	simm.s32 $_size__tile_overlayer_lowered;
	s6 =	simm.s32 $_tile_overlayer_lowered  }
0x9b: {  	s22 =	simm.s32 $0x1BFF;
	s21 =	sshll.u32 s6, $0x1;
	s3 =	sadd.s32 s4, s19  }
0x9c: {  	s7 =	simm.s32 $0x0;
	s20 =	sshll.u32 s5, $0x1;
	s5 =	sadd.s32 s21, s3  }
0x9d: {  	[timem:s7], [sflag:s22] =	dma.local [hbm:s5], s20  }
0x9e: {  	_ =	swait.ge [sflag:s22], s20  }
0x9f: {  	s4 =	ssub.s32 $0x0, s20;
	[sflag:s22] =	ssyncset.done $0x0  }
0xa0: {  	[sflag:s22] =	ssyncadd.s32 s4;
	_ =	sdelay $0x1  }
0xa1: {  	s23 =	simm.s32 $0x1B8B  }
0xa2: {  	_ =	swait.ge [sflag:s23], $0x1  }
0xa3: {  	[sflag:s23] =	ssyncset.done $0x0  }
0xa4: {  	s25 =	simm.s32 $0x1B8E;
	s24 =	sld [smem:$0x3FFE];
	[sflag:s23] =	ssyncadd.s32 $0xFFFFFFFF  }
0xa5: {  	s26 =	simm.s32 $execute0_lowered;
	[smem:$0x3FD2] =	sst s25  }
0xa6: {  	s5 =	sshll.u32 s26, $0x1;
	_ =	strace $0x80000046;
	[dreg:$0x1] =	wrdreg $0xFFFFFFFF  }
0xa7: {  	s28 =	simm.s32 $_size_execute0_lowered;
	s3 =	sadd.s32 s3, s5;
	[dreg:$0x0] =	wrdreg $0x0  }
0xa8: {  	s5 =	sshll.u32 s28, $0x1;
	[dreg:$0x2] =	wrdreg s3  }
0xa9: {  	[dreg:$0x3] =	wrdreg s5  }
0xaa: {  	[dreg:$0x4] =	wrdreg $0xC0  }
0xab: {  	_ =	task [dreg:s7], $0x5FFFF  }
0xac: {  	[dreg:$0x1] =	wrdreg $0xFFFFFFFF  }
0xad: {  	[dreg:$0x0] =	wrdreg $0x60  }
0xae: {  	[dreg:$0x2] =	wrdreg s24  }
0xaf: {  	[dreg:$0x3] =	wrdreg s2  }
0xb0: {  	[dreg:$0x4] =	wrdreg $0x0  }
0xb1: {  	[dreg:$0x5] =	wrdreg $0x80000  }
0xb2: {  	[dreg:$0x6] =	wrdreg $0x9  }
0xb3: {  	_ =	task.clear_ibuf [dreg:s7], $0x7FFFF;
	_ =	strace $0x90000046  }
0xb4: {  	s29 =	simm.s32 $0x9;
	_ =	strace $0x80000048  }
0xb5: {  	_ =	swait.ge [sflag:s29], $0x1  }
0xb6: {  	[sflag:s29] =	ssyncadd.s32 $0xFFFFFFFF  }
0xb7: {  	_ =	strace $0x90000048  }
0xb8: {  	_ =	sfence  }
0xb9: {  	s30 =	sld [smem:$0x0];
	_ =	sdelay $0x2  }
0xba: {  	s31 =	sshll.u32 s1, $0xD;
	s1 =	sshrl.u32 s1, $0x2  }
0xbb: {  	s3 =	sand.u32 $0x4000, s31;
	s1 =	sadd.s32 s1, s30  }
0xbc: {  	s0 =	sor.u32 s3, s0;
	s1 =	sshll.u32 s1, $0x11  }
0xbd: {  	s0 =	sor.u32 s1, s0  }
0xbe: {  	s0 =	sadd.s32 $0x8F2B, s0  }
0xbf: {  	[sflag:s0] =	ssyncadd.remote.s32 $0x1  }
0xc0: {  	_ =	sfence.sel $0xFFFF  }
0xc1: {  	[dreg:$0x0] =	wrdreg $0xFFFFFFFF;
	(pc) =	sbr.abs _section_cstart, $3  }
0xc2: {  	[dreg:$0x1] =	wrdreg $0xFFFFFFFF  }
0xc3: {  	_ =	task.clear_ibuf [dreg:s7], $0x2FFFF;
	_ =	strace $0x9FFFFFFF  }
0xc4: {  	(tm) =	ssettm $0x7FFFFFFF  }
0xc5: {  	_ =	shalt  }
tec
execute0_lowered:
.L_overlay_start_1:
0x0: {  	(tag) =	ssettag $0x1  }
0x1: {  	s0 =	rddreg [dreg:$0x0]  }
0x2: {  	s1 =	rddreg [dreg:$0x1]  }
0x3: {  	s2 =	rddreg [dreg:$0x2]  }
0x4: {  	s4 =	rddreg [dreg:$0x3];
	s5 =	simm.s32 $0x0  }
0x5: {  	s13 =	stileid.u32;
	s3 =	srdreg.scid;
	s14 =	simm.s32 $0x10C80  }
0x6: {  	s29 =	simm.s32 $0x1;
	s30 =	simm.s32 $0x2;
	s31 =	simm.s32 $0x15200  }
0x7: {  	s28 =	simm.s32 $0x0;
	[smem:$0x7FF] =	sst s5;
	s3 =	sand.u32 $0x1, s3  }
0x8: {  	s6 =	sshll.u32 s13, $0x1;
	s7 =	sshll.u32 s13, $0xC;
	p0 =	slt.u32 s13, $0xD  }
0x9: {  	s10 =	sshll.u32 s13, $0xF;
	s18 =	sshll.u32 s13, $0x6;
	s25 =	sadd.s32 $0x186800, s1  }
0xa: {  	s13 =	simm.s32 $0x10000;
	_ =	strace $0x80000047;
	s8 =	ssub.s32 $0x2, s3  }
0xb: {  	s3 =	sor.u32 s3, s6;
	s11 =	sadd.s32 s7, s0;
	s6 =	simm.s32 $0x31  }
0xc: {  	s12 =	sadd.s32 s10, s2;
	[dreg:$0xa] =	wrdreg s25;
	s25 =	simm.s32 $0x13200  }
0xd: {  	s15 =	sshrl.u32 s8, $0x1;
	s16 =	smul.u32 $0x30, s3;
	s17 =	sadd.s32 $0xC800, s11  }
0xe: {  	s9 =	smul.u32 $0x31, s3;
	s20 =	sadd.s32 $0x1C800, s11;
	[dreg:$0x5] =	wrdreg s17  }
0xf: {  	s6 =	simm.s32 @!p0 $0x30;
	s8 =	ssub.s32 s8, s15;
	[dreg:$0x6] =	wrdreg s20  }
0x10: {  	s7 =	sadd.s32 $0x1A, s16;
	s16 =	sadd.s32 s10, s4;
	s26 =	smax.u32 s8, $0x1  }
0x11: {  	s7 =	smov.u32 @p0 s9;
	s9 =	sor.u32 $0x1C07, s18;
	[dreg:$0xb] =	wrdreg s26  }
0x12: {  	s18 =	sshrl.u32 s12, $0x3;
	s20 =	sshrl.u32 s16, $0x3;
	p0 =	sne.s32 s3, $0x1F  }
0x13: {  	s3 =	simm.s32 $0x17200;
	s26 =	simm.s32 $0x5;
	s19 =	sshll.u32 s7, $0x3  }
.Ltmp0:
0x14: {  	s22 =	sshll.u32 s7, $0xA;
	s10 =	sadd.s32 s0, s19;
	(pc) =	sbr.rel .LBB2_1-.Ltmp0, $4  }
0x15: {  	s16 =	simm.s32 $0x6;
	s15 =	sadd.s32 s1, s22;
	s21 =	sadd.s32 $0x9600, s10  }
0x16: {  	s19 =	simm.s32 $0x7;
	s23 =	sadd.s32 $0x3200, s10;
	[dreg:$0x7] =	wrdreg s21  }
0x17: {  	s0 =	simm.s32 $0x3;
	s24 =	sadd.s32 $0x6400, s10;
	[dreg:$0x8] =	wrdreg s23  }
0x18: {  	[dreg:$0x9] =	wrdreg s24;
	s23 =	simm.s32 $0x40;
	s24 =	simm.s32 $0x4  }
.LBB2_23:
0x19: {  	s28 =	sadd.s32 $0x1, s28;
	s8 =	rddreg [dreg:$0xb]  }
0x1a: {  	p1 =	sne.s32 s28, s8  }
.Ltmp1:
0x1b: {  	_ = 	snop;
	(pc) =	sbr.rel @!p1 .LBB2_24-.Ltmp1, $1  }
0x1c: {  	_ =	sdelay $0x3  }
.LBB2_1:
0x1d: {  	s8 =	rddreg [dreg:$0x5]  }
0x1e: {  	[spmem:s18], [sflag:s9] =	dma.local [hbm:s8], $0x1000  }
0x1f: {  	_ =	swait.ge [sflag:s19], $0x1000  }
0x20: {  	[sflag:s19] =	ssyncset.done $0x0  }
0x21: {  	s17 =	rddreg [dreg:$0x6];
	[sflag:s19] =	ssyncadd.s32 $0xFFFFF000  }
0x22: {  	[spmem:s20], [sflag:s9] =	dma.local [hbm:s17], $0x1000  }
0x23: {  	_ =	swait.ge [sflag:s19], $0x1000  }
0x24: {  	[sflag:s19] =	ssyncset.done $0x0  }
0x25: {  	[sflag:s19] =	ssyncadd.s32 $0xFFFFF000  }
0x26: {  	[bflag:$0x0] =	sbarrier.arrive $0xFFFF  }
0x27: {  	s21 =	rddreg [dreg:$0x7]  }
0x28: {  	[tilespmem:s13], [sflag:$0x7] =	stream.linear.gather [hbm4b:s21+s5], $0xC40, $0x38;
	[tilespmem:$0x1F200] =	vst v63  }
0x29: {  	_ =	swait.ge [sflag:s19], $0xC40  }
0x2a: {  	[sflag:s19] =	ssyncset.done $0x0  }
0x2b: {  	s22 =	rddreg [dreg:$0x8];
	[sflag:s19] =	ssyncadd.s32 $0xFFFFF3C0  }
0x2c: {  	[tilespmem:s14], [sflag:$0x7] =	stream.linear.gather [hbm4b:s22+s5], $0xC40, $0x38;
	[tilespmem:$0x1F200] =	vst v63  }
0x2d: {  	_ =	swait.ge [sflag:s19], $0xC40  }
0x2e: {  	[sflag:s19] =	ssyncset.done $0x0  }
0x2f: {  	s8 =	simm.s32 $0x0;
	[sflag:s19] =	ssyncadd.s32 $0xFFFFF3C0  }
0x30: {  	v0 =	vld [tilespmem:s8+$0x10000]  }
0x31: {  	s11 =	simm.s32 $0x40;
	v1 =	vld [tilespmem:s8+$0x10C80]  }
.LBB2_2:
0x32: {  	p1 =	sne.s32 s11, $0x30C0  }
.Ltmp2:
0x33: {  	_ = 	snop;
	(pc) =	sbr.rel @p1 .LBB2_2-.Ltmp2, $4  }
0x34: {  	_ = 	snop  }
0x35: {  	s12 =	sshra.s32 s11, $0x2;
	s11 =	sadd.s32 $0x40, s11;
	v2 =	vshll.u32 v0, $0x6  }
0x36: {  	v0 =	vld [tilespmem:s12+$0x10000];
	v2 =	vadd.s32 v1, v2  }
0x37: {  	v1 =	vld [tilespmem:s12+$0x10C80];
	[tilespmem:s8+$0x11900] =	vst v2;
	s8 =	smov.u32 s12  }
0x38: {  	_ =	sdelay $0x2  }
0x39: {  	v0 =	vshll.u32 v0, $0x6  }
0x3a: {  	v0 =	vadd.s32 v1, v0  }
0x3b: {  	s22 =	simm.s32 $0x0;
	s11 =	rddreg [dreg:$0x9];
	[tilespmem:s8+$0x11900] =	vst v0  }
0x3c: {  	[tilespmem:s13], [sflag:$0x7] =	stream.linear.gather [hbm4b:s11+s22], $0xC40, $0x38;
	[tilespmem:$0x1F200] =	vst v63  }
0x3d: {  	_ =	swait.ge [sflag:s19], $0xC40  }
0x3e: {  	[sflag:s19] =	ssyncset.done $0x0  }
0x3f: {  	[sflag:s19] =	ssyncadd.s32 $0xFFFFF3C0  }
0x40: {  	[tilespmem:s14], [sflag:$0x7] =	stream.linear.gather [hbm4b:s10+s22], $0xC40, $0x38;
	[tilespmem:$0x1F200] =	vst v63  }
0x41: {  	_ =	swait.ge [sflag:s19], $0xC40  }
0x42: {  	[sflag:s19] =	ssyncset.done $0x0  }
0x43: {  	s8 =	simm.s32 $0x0;
	[sflag:s19] =	ssyncadd.s32 $0xFFFFF3C0  }
0x44: {  	v0 =	vld [tilespmem:s8+$0x10000]  }
0x45: {  	s11 =	simm.s32 $0x40;
	v1 =	vld [tilespmem:s8+$0x10C80]  }
.LBB2_4:
0x46: {  	p1 =	sne.s32 s11, $0x30C0  }
.Ltmp3:
0x47: {  	_ = 	snop;
	(pc) =	sbr.rel @p1 .LBB2_4-.Ltmp3, $4  }
0x48: {  	_ = 	snop  }
0x49: {  	s12 =	sshra.s32 s11, $0x2;
	s11 =	sadd.s32 $0x40, s11;
	v2 =	vshll.u32 v0, $0x6  }
0x4a: {  	v0 =	vld [tilespmem:s12+$0x10000];
	v2 =	vadd.s32 v1, v2  }
0x4b: {  	v1 =	vld [tilespmem:s12+$0x10C80];
	[tilespmem:s8+$0x12580] =	vst v2;
	s8 =	smov.u32 s12  }
0x4c: {  	_ =	sdelay $0x2  }
0x4d: {  	v0 =	vshll.u32 v0, $0x6  }
.Ltmp4:
0x4e: {  	v0 =	vadd.s32 v1, v0;
	(pc) =	sbr.rel .LBB2_6-.Ltmp4, $4  }
0x4f: {  	s21 =	simm.s32 $0x11900;
	[tilespmem:s8+$0x12580] =	vst v0  }
0x50: {  	[tilespmem:s25], [sflag:$0x1] =	stream.indirect.gather [spmem:s2], $0x80, s21, s23, $0xb8;
	[tilespmem:$0x1F200] =	vst v63  }
0x51: {  	s22 =	simm.s32 $0x12580;
	s11 =	simm.s32 $0x19200;
	s8 =	simm.s32 $0x0  }
0x52: {  	[tilespmem:s11], [sflag:$0x1] =	stream.indirect.gather [spmem:s4], $0x80, s22, s23, $0xb8;
	[tilespmem:$0x1F200] =	vst v63  }
.LBB2_18:
0x53: {  	s8 =	sadd.s32 $0x1, s8  }
0x54: {  	p1 =	sne.s32 s8, $0x11  }
.Ltmp5:
0x55: {  	_ = 	snop;
	(pc) =	sbr.rel @!p1 .LBB2_19-.Ltmp5, $1  }
0x56: {  	_ =	sdelay $0x3  }
.LBB2_6:
0x57: {  	s11 =	smul.u32 $0x3, s8;
	_ =	sdelay $0x1  }
0x58: {  	p2 =	sge.u32 s11, s6  }
.Ltmp6:
0x59: {  	_ = 	snop;
	(pc) =	sbr.rel @p2 .LBB2_10-.Ltmp6, $3  }
0x5a: {  	_ =	sdelay $0x1  }
0x5b: {  	s12 =	sadd.s32 $0x1, s11  }
0x5c: {  	p1 =	sge.u32 s12, s6  }
0x5d: {  	p2 =	seq.s32 @!p1 s8, $0x0  }
0x5e: {  	p2 =	por p2, p1  }
0x5f: {  	s13 =	simm.s32 @!p2 $0x5  }
0x60: {  	_ =	swait.ge @!p2 [sflag:s13], $0x2000  }
0x61: {  	[sflag:s13] =	ssyncset.done @!p2 $0x0  }
0x62: {  	[sflag:s13] =	ssyncadd.s32 @!p2 $0xFFFFE000;
	s13 =	sshll.u32 @!p1 s12, $0x6  }
0x63: {  	s22 =	simm.s32 @!p1 $0x40;
	s14 =	simm.s32 @!p1 $0x15200;
	s21 =	sadd.s32 @!p1 $0x11900, s13  }
0x64: {  	[tilespmem:s14], [sflag:$0x2] =	stream.indirect.gather @!p1 [spmem:s2], $0x80, s21, s22, $0xb8;
	[tilespmem:$0x1F200] =	vst v63  }
0x65: {  	s13 =	sadd.s32 @!p1 $0x12580, s13;
	s14 =	simm.s32 @!p1 $0x1B200  }
0x66: {  	[tilespmem:s14], [sflag:$0x2] =	stream.indirect.gather @!p1 [spmem:s4], $0x80, s13, s22, $0xb8;
	[tilespmem:$0x1F200] =	vst v63  }
0x67: {  	_ =	swait.ge [sflag:s29], $0x2000  }
0x68: {  	[sflag:s29] =	ssyncset.done $0x0  }
0x69: {  	[sflag:s29] =	ssyncadd.s32 $0xFFFFE000  }
0x6a: {  	_ =	swait.ge [sflag:s29], $0x2000  }
0x6b: {  	[sflag:s29] =	ssyncset.done $0x0  }
0x6c: {  	s21 =	simm.s32 $0x0;
	[sflag:s29] =	ssyncadd.s32 $0xFFFFE000  }
0x6d: {  	v7 =	vld [tilespmem:s21+$0x19200]  }
0x6e: {  	v11 =	vld [tilespmem:s21+$0x19210]  }
0x6f: {  	v5 =	vld [tilespmem:s21+$0x19220]  }
0x70: {  	v4 =	vld [tilespmem:s21+$0x19230]  }
0x71: {  	v3 =	vld [tilespmem:s21+$0x19240]  }
0x72: {  	v2 =	vld [tilespmem:s21+$0x19250]  }
0x73: {  	v1 =	vld [tilespmem:s21+$0x19260]  }
0x74: {  	v0 =	vld [tilespmem:s21+$0x19270]  }
0x75: {  	v12 =	vld [tilespmem:s21+$0x13200]  }
0x76: {  	v13 =	vld [tilespmem:s21+$0x13210]  }
0x77: {  	v10 =	vld [tilespmem:s21+$0x13220]  }
0x78: {  	v9 =	vld [tilespmem:s21+$0x13230]  }
0x79: {  	v8 =	vld [tilespmem:s21+$0x13240]  }
0x7a: {  	v6 =	vld [tilespmem:s21+$0x13250];
	v12 =	vadd.f32 v7, v12  }
0x7b: {  	s22 =	simm.s32 $0x200;
	v11 =	vadd.f32 v11, v13;
	v7 =	vld [tilespmem:s21+$0x13260]  }
.LBB2_8:
0x7c: {  	s13 =	sshra.s32 s22, $0x2;
	p2 =	sne.s32 s22, $0x7E00;
	[tilespmem:s21+$0x13200] =	vst v12;
	v5 =	vadd.f32 v5, v10;
	v10 =	vld [tilespmem:s21+$0x13270]  }
0x7d: {  	v12 =	vld [tilespmem:s13+$0x19200];
	[tilespmem:s21+$0x13210] =	vst v11;
	v4 =	vadd.f32 v4, v9  }
0x7e: {  	v11 =	vld [tilespmem:s13+$0x19210];
	[tilespmem:s21+$0x13220] =	vst v5;
	v3 =	vadd.f32 v3, v8  }
0x7f: {  	v5 =	vld [tilespmem:s13+$0x19220];
	[tilespmem:s21+$0x13230] =	vst v4;
	v2 =	vadd.f32 v2, v6  }
0x80: {  	v4 =	vld [tilespmem:s13+$0x19230];
	[tilespmem:s21+$0x13240] =	vst v3;
	v1 =	vadd.f32 v1, v7  }
0x81: {  	v3 =	vld [tilespmem:s13+$0x19240];
	[tilespmem:s21+$0x13250] =	vst v2;
	v0 =	vadd.f32 v0, v10  }
0x82: {  	v2 =	vld [tilespmem:s13+$0x19250];
	[tilespmem:s21+$0x13260] =	vst v1  }
0x83: {  	v1 =	vld [tilespmem:s13+$0x19260];
	[tilespmem:s21+$0x13270] =	vst v0;
	s21 =	smov.u32 s13  }
0x84: {  	v0 =	vld [tilespmem:s21+$0x19270]  }
0x85: {  	v6 =	vld [tilespmem:s21+$0x13200]  }
0x86: {  	v7 =	vld [tilespmem:s21+$0x13210]  }
.Ltmp7:
0x87: {  	v10 =	vld [tilespmem:s21+$0x13220];
	(pc) =	sbr.rel @p2 .LBB2_8-.Ltmp7, $4  }
0x88: {  	v9 =	vld [tilespmem:s21+$0x13230]  }
0x89: {  	v8 =	vld [tilespmem:s21+$0x13240]  }
0x8a: {  	v12 =	vadd.f32 v12, v6;
	v6 =	vld [tilespmem:s21+$0x13250]  }
0x8b: {  	s22 =	sadd.s32 $0x200, s22;
	v11 =	vadd.f32 v11, v7;
	v7 =	vld [tilespmem:s21+$0x13260]  }
0x8c: {  	[tilespmem:s21+$0x13200] =	vst v12;
	v5 =	vadd.f32 v5, v10;
	v63 =	vld [tilespmem:s21+$0x13270]  }
0x8d: {  	[tilespmem:s21+$0x13210] =	vst v11;
	v4 =	vadd.f32 v4, v9  }
0x8e: {  	[tilespmem:s21+$0x13220] =	vst v5;
	v3 =	vadd.f32 v3, v8  }
0x8f: {  	[tilespmem:s21+$0x13230] =	vst v4;
	v2 =	vadd.f32 v2, v6  }
0x90: {  	[tilespmem:s21+$0x13240] =	vst v3;
	v1 =	vadd.f32 v1, v7  }
0x91: {  	s13 =	smul.u32 $0xC00, s8;
	[tilespmem:s21+$0x13250] =	vst v2;
	v0 =	vadd.f32 v0, v63  }
0x92: {  	[tilespmem:s21+$0x13260] =	vst v1  }
0x93: {  	s13 =	sadd.s32 s13, s15;
	[tilespmem:s21+$0x13270] =	vst v0  }
0x94: {  	[hbm4b:s13+s5] =	stream.linear.scatter [tilespmem:s25], [sflag:$0x4], $0x2000, $0x38;
	[tilespmem:$0x1F200] =	vst v63  }
.LBB2_10:
.Ltmp8:
0x95: {  	(pc) =	sbr.rel @p1 .LBB2_14-.Ltmp8, $3  }
0x96: {  	_ =	sdelay $0x1  }
0x97: {  	s21 =	sadd.s32 $0x2, s11  }
0x98: {  	p2 =	sge.u32 s21, s6  }
0x99: {  	p1 =	seq.s32 @!p2 s8, $0x0  }
0x9a: {  	p1 =	por p1, p2  }
0x9b: {  	s13 =	simm.s32 @!p1 $0x6  }
0x9c: {  	_ =	swait.ge @!p1 [sflag:s13], $0x2000  }
0x9d: {  	[sflag:s13] =	ssyncset.done @!p1 $0x0  }
0x9e: {  	[sflag:s13] =	ssyncadd.s32 @!p1 $0xFFFFE000;
	s13 =	sshll.u32 @!p2 s21, $0x6  }
0x9f: {  	s22 =	simm.s32 @!p2 $0x40;
	s17 =	simm.s32 @!p2 $0x17200;
	s14 =	sadd.s32 @!p2 $0x11900, s13  }
0xa0: {  	[tilespmem:s17], [sflag:$0x3] =	stream.indirect.gather @!p2 [spmem:s2], $0x80, s14, s22, $0xb8;
	[tilespmem:$0x1F200] =	vst v63  }
0xa1: {  	s13 =	sadd.s32 @!p2 $0x12580, s13;
	s14 =	simm.s32 @!p2 $0x1D200  }
0xa2: {  	[tilespmem:s14], [sflag:$0x3] =	stream.indirect.gather @!p2 [spmem:s4], $0x80, s13, s22, $0xb8;
	[tilespmem:$0x1F200] =	vst v63  }
0xa3: {  	_ =	swait.ge [sflag:s30], $0x2000  }
0xa4: {  	[sflag:s30] =	ssyncset.done $0x0  }
0xa5: {  	[sflag:s30] =	ssyncadd.s32 $0xFFFFE000  }
0xa6: {  	_ =	swait.ge [sflag:s30], $0x2000  }
0xa7: {  	[sflag:s30] =	ssyncset.done $0x0  }
0xa8: {  	s22 =	simm.s32 $0x0;
	[sflag:s30] =	ssyncadd.s32 $0xFFFFE000  }
0xa9: {  	v7 =	vld [tilespmem:s22+$0x1B200]  }
0xaa: {  	v11 =	vld [tilespmem:s22+$0x1B210]  }
0xab: {  	v5 =	vld [tilespmem:s22+$0x1B220]  }
0xac: {  	v4 =	vld [tilespmem:s22+$0x1B230]  }
0xad: {  	v3 =	vld [tilespmem:s22+$0x1B240]  }
0xae: {  	v2 =	vld [tilespmem:s22+$0x1B250]  }
0xaf: {  	v1 =	vld [tilespmem:s22+$0x1B260]  }
0xb0: {  	v0 =	vld [tilespmem:s22+$0x1B270]  }
0xb1: {  	v12 =	vld [tilespmem:s22+$0x15200]  }
0xb2: {  	v13 =	vld [tilespmem:s22+$0x15210]  }
0xb3: {  	v10 =	vld [tilespmem:s22+$0x15220]  }
0xb4: {  	v9 =	vld [tilespmem:s22+$0x15230]  }
0xb5: {  	v8 =	vld [tilespmem:s22+$0x15240]  }
0xb6: {  	v6 =	vld [tilespmem:s22+$0x15250];
	v12 =	vadd.f32 v7, v12  }
0xb7: {  	s13 =	simm.s32 $0x200;
	v11 =	vadd.f32 v11, v13;
	v7 =	vld [tilespmem:s22+$0x15260]  }
.LBB2_12:
0xb8: {  	s14 =	sshra.s32 s13, $0x2;
	p1 =	sne.s32 s13, $0x7E00;
	[tilespmem:s22+$0x15200] =	vst v12;
	v5 =	vadd.f32 v5, v10;
	v10 =	vld [tilespmem:s22+$0x15270]  }
0xb9: {  	v12 =	vld [tilespmem:s14+$0x1B200];
	[tilespmem:s22+$0x15210] =	vst v11;
	v4 =	vadd.f32 v4, v9  }
0xba: {  	v11 =	vld [tilespmem:s14+$0x1B210];
	[tilespmem:s22+$0x15220] =	vst v5;
	v3 =	vadd.f32 v3, v8  }
0xbb: {  	v5 =	vld [tilespmem:s14+$0x1B220];
	[tilespmem:s22+$0x15230] =	vst v4;
	v2 =	vadd.f32 v2, v6  }
0xbc: {  	v4 =	vld [tilespmem:s14+$0x1B230];
	[tilespmem:s22+$0x15240] =	vst v3;
	v1 =	vadd.f32 v1, v7  }
0xbd: {  	v3 =	vld [tilespmem:s14+$0x1B240];
	[tilespmem:s22+$0x15250] =	vst v2;
	v0 =	vadd.f32 v0, v10  }
0xbe: {  	v2 =	vld [tilespmem:s14+$0x1B250];
	[tilespmem:s22+$0x15260] =	vst v1  }
0xbf: {  	v1 =	vld [tilespmem:s14+$0x1B260];
	[tilespmem:s22+$0x15270] =	vst v0;
	s22 =	smov.u32 s14  }
0xc0: {  	v0 =	vld [tilespmem:s22+$0x1B270]  }
0xc1: {  	v6 =	vld [tilespmem:s22+$0x15200]  }
0xc2: {  	v7 =	vld [tilespmem:s22+$0x15210]  }
.Ltmp9:
0xc3: {  	v10 =	vld [tilespmem:s22+$0x15220];
	(pc) =	sbr.rel @p1 .LBB2_12-.Ltmp9, $4  }
0xc4: {  	v9 =	vld [tilespmem:s22+$0x15230]  }
0xc5: {  	v8 =	vld [tilespmem:s22+$0x15240]  }
0xc6: {  	v12 =	vadd.f32 v12, v6;
	v6 =	vld [tilespmem:s22+$0x15250]  }
0xc7: {  	s13 =	sadd.s32 $0x200, s13;
	v11 =	vadd.f32 v11, v7;
	v7 =	vld [tilespmem:s22+$0x15260]  }
0xc8: {  	[tilespmem:s22+$0x15200] =	vst v12;
	v5 =	vadd.f32 v5, v10;
	v63 =	vld [tilespmem:s22+$0x15270]  }
0xc9: {  	[tilespmem:s22+$0x15210] =	vst v11;
	v4 =	vadd.f32 v4, v9  }
0xca: {  	[tilespmem:s22+$0x15220] =	vst v5;
	v3 =	vadd.f32 v3, v8  }
0xcb: {  	[tilespmem:s22+$0x15230] =	vst v4;
	v2 =	vadd.f32 v2, v6  }
0xcc: {  	[tilespmem:s22+$0x15240] =	vst v3;
	v1 =	vadd.f32 v1, v7  }
0xcd: {  	s12 =	sadd.s32 s7, s12;
	[tilespmem:s22+$0x15250] =	vst v2;
	v0 =	vadd.f32 v0, v63  }
0xce: {  	s12 =	sshll.u32 s12, $0xA;
	[tilespmem:s22+$0x15260] =	vst v1  }
0xcf: {  	s12 =	sadd.s32 s1, s12;
	[tilespmem:s22+$0x15270] =	vst v0  }
0xd0: {  	[hbm4b:s12+s5] =	stream.linear.scatter [tilespmem:s31], [sflag:$0x5], $0x2000, $0x38;
	[tilespmem:$0x1F200] =	vst v63  }
.LBB2_14:
.Ltmp10:
0xd1: {  	(pc) =	sbr.rel @p2 .LBB2_18-.Ltmp10, $1  }
0xd2: {  	_ =	sdelay $0x3  }
0xd3: {  	s11 =	sadd.s32 $0x3, s11  }
0xd4: {  	p1 =	sge.u32 s11, s6  }
0xd5: {  	s12 =	simm.s32 @!p1 $0x4  }
0xd6: {  	_ =	swait.ge @!p1 [sflag:s12], $0x2000  }
0xd7: {  	s11 =	sshll.u32 @!p1 s11, $0x6;
	s13 =	simm.s32 @!p1 $0x40;
	[sflag:s12] =	ssyncset.done @!p1 $0x0  }
0xd8: {  	s14 =	simm.s32 @!p1 $0x13200;
	[sflag:s12] =	ssyncadd.s32 @!p1 $0xFFFFE000;
	s12 =	sadd.s32 @!p1 $0x11900, s11  }
0xd9: {  	[tilespmem:s14], [sflag:$0x1] =	stream.indirect.gather @!p1 [spmem:s2], $0x80, s12, s13, $0xb8;
	[tilespmem:$0x1F200] =	vst v63  }
0xda: {  	s11 =	sadd.s32 @!p1 $0x12580, s11;
	s12 =	simm.s32 @!p1 $0x19200  }
0xdb: {  	[tilespmem:s12], [sflag:$0x1] =	stream.indirect.gather @!p1 [spmem:s4], $0x80, s11, s13, $0xb8;
	[tilespmem:$0x1F200] =	vst v63  }
0xdc: {  	_ =	swait.ge [sflag:s0], $0x2000  }
0xdd: {  	[sflag:s0] =	ssyncset.done $0x0  }
0xde: {  	[sflag:s0] =	ssyncadd.s32 $0xFFFFE000  }
0xdf: {  	_ =	swait.ge [sflag:s0], $0x2000  }
0xe0: {  	[sflag:s0] =	ssyncset.done $0x0  }
0xe1: {  	s11 =	simm.s32 $0x0;
	[sflag:s0] =	ssyncadd.s32 $0xFFFFE000  }
0xe2: {  	v7 =	vld [tilespmem:s11+$0x1D200]  }
0xe3: {  	v11 =	vld [tilespmem:s11+$0x1D210]  }
0xe4: {  	v5 =	vld [tilespmem:s11+$0x1D220]  }
0xe5: {  	v4 =	vld [tilespmem:s11+$0x1D230]  }
0xe6: {  	v3 =	vld [tilespmem:s11+$0x1D240]  }
0xe7: {  	v2 =	vld [tilespmem:s11+$0x1D250]  }
0xe8: {  	v1 =	vld [tilespmem:s11+$0x1D260]  }
0xe9: {  	v0 =	vld [tilespmem:s11+$0x1D270]  }
0xea: {  	v12 =	vld [tilespmem:s11+$0x17200]  }
0xeb: {  	v13 =	vld [tilespmem:s11+$0x17210]  }
0xec: {  	v10 =	vld [tilespmem:s11+$0x17220]  }
0xed: {  	v9 =	vld [tilespmem:s11+$0x17230]  }
0xee: {  	v8 =	vld [tilespmem:s11+$0x17240]  }
0xef: {  	v6 =	vld [tilespmem:s11+$0x17250];
	v12 =	vadd.f32 v7, v12  }
0xf0: {  	s12 =	simm.s32 $0x200;
	v11 =	vadd.f32 v11, v13;
	v7 =	vld [tilespmem:s11+$0x17260]  }
.LBB2_16:
0xf1: {  	s13 =	sshra.s32 s12, $0x2;
	p1 =	sne.s32 s12, $0x7E00;
	[tilespmem:s11+$0x17200] =	vst v12;
	v5 =	vadd.f32 v5, v10;
	v10 =	vld [tilespmem:s11+$0x17270]  }
0xf2: {  	v12 =	vld [tilespmem:s13+$0x1D200];
	[tilespmem:s11+$0x17210] =	vst v11;
	v4 =	vadd.f32 v4, v9  }
0xf3: {  	v11 =	vld [tilespmem:s13+$0x1D210];
	[tilespmem:s11+$0x17220] =	vst v5;
	v3 =	vadd.f32 v3, v8  }
0xf4: {  	v5 =	vld [tilespmem:s13+$0x1D220];
	[tilespmem:s11+$0x17230] =	vst v4;
	v2 =	vadd.f32 v2, v6  }
0xf5: {  	v4 =	vld [tilespmem:s13+$0x1D230];
	[tilespmem:s11+$0x17240] =	vst v3;
	v1 =	vadd.f32 v1, v7  }
0xf6: {  	v3 =	vld [tilespmem:s13+$0x1D240];
	[tilespmem:s11+$0x17250] =	vst v2;
	v0 =	vadd.f32 v0, v10  }
0xf7: {  	v2 =	vld [tilespmem:s13+$0x1D250];
	[tilespmem:s11+$0x17260] =	vst v1  }
0xf8: {  	v1 =	vld [tilespmem:s13+$0x1D260];
	[tilespmem:s11+$0x17270] =	vst v0;
	s11 =	smov.u32 s13  }
0xf9: {  	v0 =	vld [tilespmem:s11+$0x1D270]  }
0xfa: {  	v6 =	vld [tilespmem:s11+$0x17200]  }
0xfb: {  	v7 =	vld [tilespmem:s11+$0x17210]  }
.Ltmp11:
0xfc: {  	v10 =	vld [tilespmem:s11+$0x17220];
	(pc) =	sbr.rel @p1 .LBB2_16-.Ltmp11, $4  }
0xfd: {  	v9 =	vld [tilespmem:s11+$0x17230]  }
0xfe: {  	v8 =	vld [tilespmem:s11+$0x17240]  }
0xff: {  	v12 =	vadd.f32 v12, v6;
	v6 =	vld [tilespmem:s11+$0x17250]  }
0x100: {  	s12 =	sadd.s32 $0x200, s12;
	v11 =	vadd.f32 v11, v7;
	v7 =	vld [tilespmem:s11+$0x17260]  }
0x101: {  	[tilespmem:s11+$0x17200] =	vst v12;
	v5 =	vadd.f32 v5, v10;
	v63 =	vld [tilespmem:s11+$0x17270]  }
0x102: {  	[tilespmem:s11+$0x17210] =	vst v11;
	v4 =	vadd.f32 v4, v9  }
0x103: {  	[tilespmem:s11+$0x17220] =	vst v5;
	v3 =	vadd.f32 v3, v8  }
0x104: {  	[tilespmem:s11+$0x17230] =	vst v4;
	v2 =	vadd.f32 v2, v6  }
.Ltmp12:
0x105: {  	[tilespmem:s11+$0x17240] =	vst v3;
	v1 =	vadd.f32 v1, v7;
	(pc) =	sbr.rel .LBB2_18-.Ltmp12, $4  }
0x106: {  	s12 =	sadd.s32 s7, s21;
	[tilespmem:s11+$0x17250] =	vst v2;
	v0 =	vadd.f32 v0, v63  }
0x107: {  	s12 =	sshll.u32 s12, $0xA;
	[tilespmem:s11+$0x17260] =	vst v1  }
0x108: {  	s22 =	sadd.s32 s1, s12;
	[tilespmem:s11+$0x17270] =	vst v0  }
0x109: {  	[hbm4b:s22+s5] =	stream.linear.scatter [tilespmem:s3], [sflag:$0x6], $0x2000, $0x38;
	[tilespmem:$0x1F200] =	vst v63  }
.LBB2_19:
0x10a: {  	_ =	swait.ge [sflag:s24], $0x2000  }
0x10b: {  	[sflag:s24] =	ssyncset.done $0x0  }
0x10c: {  	[sflag:s24] =	ssyncadd.s32 $0xFFFFE000  }
0x10d: {  	_ =	swait.ge [sflag:s26], $0x2000  }
.Ltmp13:
0x10e: {  	[sflag:s26] =	ssyncset.done $0x0;
	(pc) =	sbr.rel @p0 .LBB2_23-.Ltmp13, $4  }
0x10f: {  	[sflag:s26] =	ssyncadd.s32 $0xFFFFE000  }
0x110: {  	_ =	swait.ge [sflag:s16], $0x2000  }
0x111: {  	[sflag:s16] =	ssyncset.done $0x0  }
0x112: {  	s13 =	simm.s32 $0x10000;
	s14 =	simm.s32 $0x10C80;
	[sflag:s16] =	ssyncadd.s32 $0xFFFFE000  }
0x113: {  	s8 =	simm.s32 $0x12500  }
0x114: {  	[tilespmem:s25], [sflag:$0x1] =	stream.indirect.gather [spmem:s2], $0x80, s8, s23, $0xb8;
	[tilespmem:$0x1F200] =	vst v63  }
0x115: {  	s22 =	simm.s32 $0x19200;
	s11 =	simm.s32 $0x13180  }
0x116: {  	[tilespmem:s22], [sflag:$0x1] =	stream.indirect.gather [spmem:s4], $0x80, s11, s23, $0xb8;
	[tilespmem:$0x1F200] =	vst v63  }
0x117: {  	_ =	swait.ge [sflag:s29], $0x2000  }
0x118: {  	[sflag:s29] =	ssyncset.done $0x0  }
0x119: {  	[sflag:s29] =	ssyncadd.s32 $0xFFFFE000  }
0x11a: {  	_ =	swait.ge [sflag:s29], $0x2000  }
0x11b: {  	[sflag:s29] =	ssyncset.done $0x0  }
0x11c: {  	s8 =	simm.s32 $0x0;
	[sflag:s29] =	ssyncadd.s32 $0xFFFFE000  }
0x11d: {  	v7 =	vld [tilespmem:s8+$0x19200]  }
0x11e: {  	v11 =	vld [tilespmem:s8+$0x19210]  }
0x11f: {  	v5 =	vld [tilespmem:s8+$0x19220]  }
0x120: {  	v4 =	vld [tilespmem:s8+$0x19230]  }
0x121: {  	v3 =	vld [tilespmem:s8+$0x19240]  }
0x122: {  	v2 =	vld [tilespmem:s8+$0x19250]  }
0x123: {  	v1 =	vld [tilespmem:s8+$0x19260]  }
0x124: {  	v0 =	vld [tilespmem:s8+$0x19270]  }
0x125: {  	v12 =	vld [tilespmem:s8+$0x13200]  }
0x126: {  	v13 =	vld [tilespmem:s8+$0x13210]  }
0x127: {  	v10 =	vld [tilespmem:s8+$0x13220]  }
0x128: {  	v9 =	vld [tilespmem:s8+$0x13230]  }
0x129: {  	v8 =	vld [tilespmem:s8+$0x13240]  }
0x12a: {  	v6 =	vld [tilespmem:s8+$0x13250];
	v12 =	vadd.f32 v7, v12  }
0x12b: {  	s11 =	simm.s32 $0x200;
	v11 =	vadd.f32 v11, v13;
	v7 =	vld [tilespmem:s8+$0x13260]  }
.LBB2_21:
0x12c: {  	s12 =	sshra.s32 s11, $0x2;
	p1 =	sne.s32 s11, $0x7E00;
	[tilespmem:s8+$0x13200] =	vst v12;
	v5 =	vadd.f32 v5, v10;
	v10 =	vld [tilespmem:s8+$0x13270]  }
0x12d: {  	v12 =	vld [tilespmem:s12+$0x19200];
	[tilespmem:s8+$0x13210] =	vst v11;
	v4 =	vadd.f32 v4, v9  }
0x12e: {  	v11 =	vld [tilespmem:s12+$0x19210];
	[tilespmem:s8+$0x13220] =	vst v5;
	v3 =	vadd.f32 v3, v8  }
0x12f: {  	v5 =	vld [tilespmem:s12+$0x19220];
	[tilespmem:s8+$0x13230] =	vst v4;
	v2 =	vadd.f32 v2, v6  }
0x130: {  	v4 =	vld [tilespmem:s12+$0x19230];
	[tilespmem:s8+$0x13240] =	vst v3;
	v1 =	vadd.f32 v1, v7  }
0x131: {  	v3 =	vld [tilespmem:s12+$0x19240];
	[tilespmem:s8+$0x13250] =	vst v2;
	v0 =	vadd.f32 v0, v10  }
0x132: {  	v2 =	vld [tilespmem:s12+$0x19250];
	[tilespmem:s8+$0x13260] =	vst v1  }
0x133: {  	v1 =	vld [tilespmem:s12+$0x19260];
	[tilespmem:s8+$0x13270] =	vst v0;
	s8 =	smov.u32 s12  }
0x134: {  	v0 =	vld [tilespmem:s8+$0x19270]  }
0x135: {  	v6 =	vld [tilespmem:s8+$0x13200]  }
0x136: {  	v7 =	vld [tilespmem:s8+$0x13210]  }
.Ltmp14:
0x137: {  	v10 =	vld [tilespmem:s8+$0x13220];
	(pc) =	sbr.rel @p1 .LBB2_21-.Ltmp14, $4  }
0x138: {  	v9 =	vld [tilespmem:s8+$0x13230]  }
0x139: {  	v8 =	vld [tilespmem:s8+$0x13240]  }
0x13a: {  	v12 =	vadd.f32 v12, v6;
	v6 =	vld [tilespmem:s8+$0x13250]  }
0x13b: {  	s11 =	sadd.s32 $0x200, s11;
	v11 =	vadd.f32 v11, v7;
	v7 =	vld [tilespmem:s8+$0x13260]  }
0x13c: {  	[tilespmem:s8+$0x13200] =	vst v12;
	v5 =	vadd.f32 v5, v10;
	v63 =	vld [tilespmem:s8+$0x13270]  }
0x13d: {  	[tilespmem:s8+$0x13210] =	vst v11;
	v4 =	vadd.f32 v4, v9  }
0x13e: {  	[tilespmem:s8+$0x13220] =	vst v5;
	v3 =	vadd.f32 v3, v8  }
0x13f: {  	[tilespmem:s8+$0x13230] =	vst v4;
	v2 =	vadd.f32 v2, v6  }
0x140: {  	[tilespmem:s8+$0x13240] =	vst v3;
	v1 =	vadd.f32 v1, v7  }
0x141: {  	[tilespmem:s8+$0x13250] =	vst v2;
	v0 =	vadd.f32 v0, v63  }
0x142: {  	[tilespmem:s8+$0x13260] =	vst v1  }
.Ltmp15:
0x143: {  	s22 =	rddreg [dreg:$0xa];
	[tilespmem:s8+$0x13270] =	vst v0;
	(pc) =	sbr.rel .LBB2_23-.Ltmp15, $4  }
0x144: {  	[hbm4b:s22+s5] =	stream.linear.scatter [tilespmem:s25], [sflag:$0x7], $0x1000, $0x38;
	[tilespmem:$0x1F200] =	vst v63  }
0x145: {  	_ =	swait.ge [sflag:s19], $0x1000  }
0x146: {  	[sflag:s19] =	ssyncset.done $0x0  }
0x147: {  	[sflag:s19] =	ssyncadd.s32 $0xFFFFF000  }
.LBB2_24:
0x148: {  	_ =	sfence.sel $0x180000  }
0x149: {  	[bflag:$0x0] =	sbarrier.arrive $0xFFFF  }
0x14a: {  	_ =	strace $0x90000047  }
0x14b: {  	s0 =	stileid.u32;
	[bflag:$0x2] =	sbarrier.arrive $0xFFFF  }
0x14c: {  	p0 =	sne.s32 s0, $0x0;
	s0 =	rddreg [dreg:$0x4]  }
0x14d: {  	s0 =	sadd.s32 @!p0 $0x100000, s0  }
0x14e: {  	[sflag:s0] =	ssyncadd.tile.s32 @!p0 $0x1;
	_ =	shalt  }
.Lfunc_end2:
_tile_overlayer_lowered:
.L_overlay_start_2:
0x14f: {  	(tag) =	ssettag $0x2  }
0x150: {  	s0 =	rddreg [dreg:$0x0];
	s2 =	stileid.u32  }
0x151: {  	s1 =	rddreg [dreg:$0x1];
	p0 =	sne.s32 s2, $0x0  }
0x152: {  	s3 =	rddreg [dreg:$0x2];
	[bflag:$0x3] =	sbarrier.arrive $0xFFFF;
	s2 =	simm.s32 @!p0 $0x1C07  }
0x153: {  	[timem:s3], [sflag:s2] =	dma.local @!p0 [hbm:s0], s1  }
0x154: {  	s0 =	simm.s32 @!p0 $0x7  }
0x155: {  	_ =	swait.ge @!p0 [sflag:s0], s1  }
0x156: {  	s1 =	ssub.s32 @!p0 $0x0, s1;
	[sflag:s0] =	ssyncset.done @!p0 $0x0  }
0x157: {  	[sflag:s0] =	ssyncadd.s32 @!p0 s1  }
0x158: {  	[bflag:$0x3] =	sbarrier.arrive $0xFFFF  }
0x159: {  	_ =	shalt  }

</sc_bundles>
